<compile_context>
chip_gen: v7x
topology: tpu7x:2x2x1
jax: 0.10.2.dev20260603
libtpu: 0.0.44.dev20260713+nightly
codegen_flags: <defaults>
</compile_context>

<pallas_src>
import functools

import jax
import jax.numpy as jnp
import numpy as np
from jax import lax
from jax.experimental import pallas as pl
from jax.experimental.pallas import tpu as pltpu
from jax.experimental.pallas import tpu_sc as plsc

_info = plsc.get_sparse_core_info()
_NC, _NS, _L = _info.num_cores, _info.num_subcores, _info.num_lanes
_NW = _NC * _NS
_N, _K = 16384, 4
_B = _N * _K
_D = 10
_V = 100
_RPW = _N // _NW
_BPW = _RPW * _K
_OPW = _BPW * _D
_PERIOD = 5
_NMACRO = _OPW // (_PERIOD * _L)

_mesh = plsc.VectorSubcoreMesh(core_axis_name="c", subcore_axis_name="s")

_T = np.arange(_PERIOD * _L, dtype=np.int32).reshape(_PERIOD, _L)
_PAT = np.concatenate([
    _T // _D,
    _T % _D,
    _T // (_K * _D),
    _T % (_K * _D),
    np.zeros((1, _L), np.int32),
]).astype(np.int32)


@functools.partial(
    pl.kernel,
    mesh=_mesh,
    compiler_params=pltpu.CompilerParams(
        needs_layout_passes=False, use_tc_tiling_on_sc=False),
    out_type=jax.ShapeDtypeStruct((_N, _K * _D), jnp.float32),
    scratch_types=[
        pltpu.VMEM((_BPW // 128, 128), jnp.int32),
        pltpu.VMEM((_V, _D), jnp.float32),
        pltpu.VMEM((_RPW, _K * _D), jnp.float32),
        pltpu.VMEM((4 * _PERIOD + 1, _L), jnp.int32),
    ],
)
def _gather_kernel(x_hbm, table_hbm, pat_hbm, out_hbm, idx_v, table_v,
                   out_v, pat_v):
    wid = lax.axis_index("s") * _NC + lax.axis_index("c")
    row0 = wid * _RPW
    xrow0 = wid * (_BPW // 128)
    pltpu.sync_copy(x_hbm.at[pl.ds(xrow0, _BPW // 128)], idx_v)
    pltpu.sync_copy(table_hbm, table_v)
    pltpu.sync_copy(pat_hbm, pat_v)

    q = [pat_v[g] for g in range(_PERIOD)]
    tc = [pat_v[_PERIOD + g] for g in range(_PERIOD)]
    oa = [pat_v[2 * _PERIOD + g] for g in range(_PERIOD)]
    oc = [pat_v[3 * _PERIOD + g] for g in range(_PERIOD)]
    zz = pat_v[4 * _PERIOD]

    @plsc.parallel_loop(0, _NMACRO, unroll=8)
    def _(m):
        m2 = 2 * m
        i0 = zz + (m >> 4)
        sh = (m & 15) << 3
        for g in range(_PERIOD):
            rows = plsc.load_gather(idx_v, [i0, q[g] + sh])
            vals = plsc.load_gather(table_v, [rows, tc[g]])
            plsc.store_scatter(out_v, [oa[g] + m2, oc[g]], vals)

    pltpu.sync_copy(out_v, out_hbm.at[pl.ds(row0, _RPW)])


def kernel(x, table):
    out = _gather_kernel(x.reshape(_B // 128, 128), table, jnp.asarray(_PAT))
    return out.reshape(-1, 2, 2, 10)

# --- scband reference (transcript-rebuilt; emitter-appended) ---
"""Pipeline reference for scband-tester-16956530884659 (READ-ONLY COPY).

The authoritative reference and input builder live on the scoring server;
editing this copy changes nothing except your own understanding.
"""

import jax, jax.numpy as jnp
import numpy as np


def setup_inputs(seed: int = 0) -> dict:
    key = jax.random.key(seed)
    k1, = jax.random.split(key, 1)
    x = jax.random.randint(k1, (16384, 4), 0, 100, dtype=jnp.int64 if jax.config.jax_enable_x64 else jnp.int32)
    # Deterministic embedding table from the torch module: row i is filled with value i.
    word_vocab_size = 100
    glove_vec_size = 10
    table = jnp.tile(jnp.arange(word_vocab_size, dtype=jnp.float32)[:, None], (1, glove_vec_size))
    return {"x": x, "table": table}


def reference(x, table):
    emb = jnp.take(table, x, axis=0)  # [16384, 4, 10]
    result = emb.reshape(-1, 2, 2, 10)  # [16384, 2, 2, 10]
    return result

if __name__ == "__main__":
    import jax
    _d = setup_inputs()
    print(jax.jit(kernel)(*tuple(_d.values())))

</pallas_src>

<mosaic_0001>
#map = affine_map<(d0, d1) -> (0, 0)>
module attributes {stable_mosaic.version = 14 : i64} {
  func.func @_gather_kernel(%arg0: i32, %arg1: i32, %arg2: memref<512x128xi32, #tpu.memory_space<hbm>>, %arg3: memref<100x10xf32, #tpu.memory_space<hbm>>, %arg4: memref<21x16xi32, #tpu.memory_space<hbm>>, %arg5: memref<16384x40xf32, #tpu.memory_space<hbm>>, %arg6: memref<16x128xi32, #tpu.memory_space<vmem>>, %arg7: memref<100x10xf32, #tpu.memory_space<vmem>>, %arg8: memref<512x40xf32, #tpu.memory_space<vmem>>, %arg9: memref<21x16xi32, #tpu.memory_space<vmem>>) attributes {dimension_semantics = [#tpu.dimension_semantics<core_parallel>, #tpu.dimension_semantics<subcore_parallel>], iteration_bounds = array<i64: 2, 16>, scalar_prefetch = 0 : i64, scratch_operands = 4 : i64, tpu.core_type = #tpu.core_type<sc_vector_subcore>, window_params = [{transform_indices = #map}, {transform_indices = #map}, {transform_indices = #map}, {transform_indices = #map}]} {
    %mul3A = arith.constant 2 : i32
    %mul3A_0 = arith.muli %arg1, %mul3A : i32
    %add3A = arith.addi %mul3A_0, %arg0 : i32
    %mul3A_1 = arith.constant 512 : i32
    %mul3A_2 = arith.muli %add3A, %mul3A_1 : i32
    %mul3A_3 = arith.constant 16 : i32
    %mul3A_4 = arith.muli %add3A, %mul3A_3 : i32
    "tpu.region"() ({
      %run_scoped3A = tpu.sem_alloc : memref<!tpu.dma_semaphore, #tpu.memory_space<semaphore_mem>>
      %dma_start3A = arith.constant 0 : i32
      %dma_start3A_90 = tpu.memref_slice %arg2[%mul3A_4, %dma_start3A] : memref<512x128xi32, #tpu.memory_space<hbm>> -> memref<16x128xi32, #tpu.memory_space<hbm>>
      %dma_start3A_91 = arith.constant 0 : i32
      %dma_start3A_92 = tpu.memref_slice %arg2[%mul3A_4, %dma_start3A_91] : memref<512x128xi32, #tpu.memory_space<hbm>> -> memref<16x128xi32, #tpu.memory_space<hbm>>
      tpu.enqueue_dma source(%dma_start3A_92 : memref<16x128xi32, #tpu.memory_space<hbm>>) target(%arg6 : memref<16x128xi32, #tpu.memory_space<vmem>>) target_semaphore(%run_scoped3A : memref<!tpu.dma_semaphore, #tpu.memory_space<semaphore_mem>>)
      %dma_wait3A = arith.constant 0 : i32
      %dma_wait3A_93 = tpu.memref_slice %arg2[%mul3A_4, %dma_wait3A] : memref<512x128xi32, #tpu.memory_space<hbm>> -> memref<16x128xi32, #tpu.memory_space<hbm>>
      %dma_wait3A_94 = arith.constant 0 : i32
      %dma_wait3A_95 = tpu.memref_slice %arg2[%mul3A_4, %dma_wait3A_94] : memref<512x128xi32, #tpu.memory_space<hbm>> -> memref<16x128xi32, #tpu.memory_space<hbm>>
      tpu.wait_dma2 semaphore(%run_scoped3A : memref<!tpu.dma_semaphore, #tpu.memory_space<semaphore_mem>>) src(%dma_wait3A_95 : memref<16x128xi32, #tpu.memory_space<hbm>>) dst(%arg6 : memref<16x128xi32, #tpu.memory_space<vmem>>)
      tpu.yield
    }) : () -> ()
    "tpu.region"() ({
      %run_scoped3A = tpu.sem_alloc : memref<!tpu.dma_semaphore, #tpu.memory_space<semaphore_mem>>
      tpu.enqueue_dma source(%arg3 : memref<100x10xf32, #tpu.memory_space<hbm>>) target(%arg7 : memref<100x10xf32, #tpu.memory_space<vmem>>) target_semaphore(%run_scoped3A : memref<!tpu.dma_semaphore, #tpu.memory_space<semaphore_mem>>)
      tpu.wait_dma2 semaphore(%run_scoped3A : memref<!tpu.dma_semaphore, #tpu.memory_space<semaphore_mem>>) src(%arg3 : memref<100x10xf32, #tpu.memory_space<hbm>>) dst(%arg7 : memref<100x10xf32, #tpu.memory_space<vmem>>)
      tpu.yield
    }) : () -> ()
    "tpu.region"() ({
      %run_scoped3A = tpu.sem_alloc : memref<!tpu.dma_semaphore, #tpu.memory_space<semaphore_mem>>
      tpu.enqueue_dma source(%arg4 : memref<21x16xi32, #tpu.memory_space<hbm>>) target(%arg9 : memref<21x16xi32, #tpu.memory_space<vmem>>) target_semaphore(%run_scoped3A : memref<!tpu.dma_semaphore, #tpu.memory_space<semaphore_mem>>)
      tpu.wait_dma2 semaphore(%run_scoped3A : memref<!tpu.dma_semaphore, #tpu.memory_space<semaphore_mem>>) src(%arg4 : memref<21x16xi32, #tpu.memory_space<hbm>>) dst(%arg9 : memref<21x16xi32, #tpu.memory_space<vmem>>)
      tpu.yield
    }) : () -> ()
    %get3A = arith.constant 0 : i32
    %get3A_5 = arith.index_cast %get3A : i32 to index
    %get3A_6 = arith.constant 0 : index
    %get3A_7 = tpu.vector_load %arg9[%get3A_5, %get3A_6] {strides = array<i32>} : memref<21x16xi32, #tpu.memory_space<vmem>>, vector<16xi32>,
    %get3A_8 = arith.constant 1 : i32
    %get3A_9 = arith.index_cast %get3A_8 : i32 to index
    %get3A_10 = arith.constant 0 : index
    %get3A_11 = tpu.vector_load %arg9[%get3A_9, %get3A_10] {strides = array<i32>} : memref<21x16xi32, #tpu.memory_space<vmem>>, vector<16xi32>,
    %get3A_12 = arith.constant 2 : i32
    %get3A_13 = arith.index_cast %get3A_12 : i32 to index
    %get3A_14 = arith.constant 0 : index
    %get3A_15 = tpu.vector_load %arg9[%get3A_13, %get3A_14] {strides = array<i32>} : memref<21x16xi32, #tpu.memory_space<vmem>>, vector<16xi32>,
    %get3A_16 = arith.constant 3 : i32
    %get3A_17 = arith.index_cast %get3A_16 : i32 to index
    %get3A_18 = arith.constant 0 : index
    %get3A_19 = tpu.vector_load %arg9[%get3A_17, %get3A_18] {strides = array<i32>} : memref<21x16xi32, #tpu.memory_space<vmem>>, vector<16xi32>,
    %get3A_20 = arith.constant 4 : i32
    %get3A_21 = arith.index_cast %get3A_20 : i32 to index
    %get3A_22 = arith.constant 0 : index
    %get3A_23 = tpu.vector_load %arg9[%get3A_21, %get3A_22] {strides = array<i32>} : memref<21x16xi32, #tpu.memory_space<vmem>>, vector<16xi32>,
    %get3A_24 = arith.constant 5 : i32
    %get3A_25 = arith.index_cast %get3A_24 : i32 to index
    %get3A_26 = arith.constant 0 : index
    %get3A_27 = tpu.vector_load %arg9[%get3A_25, %get3A_26] {strides = array<i32>} : memref<21x16xi32, #tpu.memory_space<vmem>>, vector<16xi32>,
    %get3A_28 = arith.constant 6 : i32
    %get3A_29 = arith.index_cast %get3A_28 : i32 to index
    %get3A_30 = arith.constant 0 : index
    %get3A_31 = tpu.vector_load %arg9[%get3A_29, %get3A_30] {strides = array<i32>} : memref<21x16xi32, #tpu.memory_space<vmem>>, vector<16xi32>,
    %get3A_32 = arith.constant 7 : i32
    %get3A_33 = arith.index_cast %get3A_32 : i32 to index
    %get3A_34 = arith.constant 0 : index
    %get3A_35 = tpu.vector_load %arg9[%get3A_33, %get3A_34] {strides = array<i32>} : memref<21x16xi32, #tpu.memory_space<vmem>>, vector<16xi32>,
    %get3A_36 = arith.constant 8 : i32
    %get3A_37 = arith.index_cast %get3A_36 : i32 to index
    %get3A_38 = arith.constant 0 : index
    %get3A_39 = tpu.vector_load %arg9[%get3A_37, %get3A_38] {strides = array<i32>} : memref<21x16xi32, #tpu.memory_space<vmem>>, vector<16xi32>,
    %get3A_40 = arith.constant 9 : i32
    %get3A_41 = arith.index_cast %get3A_40 : i32 to index
    %get3A_42 = arith.constant 0 : index
    %get3A_43 = tpu.vector_load %arg9[%get3A_41, %get3A_42] {strides = array<i32>} : memref<21x16xi32, #tpu.memory_space<vmem>>, vector<16xi32>,
    %get3A_44 = arith.constant 10 : i32
    %get3A_45 = arith.index_cast %get3A_44 : i32 to index
    %get3A_46 = arith.constant 0 : index
    %get3A_47 = tpu.vector_load %arg9[%get3A_45, %get3A_46] {strides = array<i32>} : memref<21x16xi32, #tpu.memory_space<vmem>>, vector<16xi32>,
    %get3A_48 = arith.constant 11 : i32
    %get3A_49 = arith.index_cast %get3A_48 : i32 to index
    %get3A_50 = arith.constant 0 : index
    %get3A_51 = tpu.vector_load %arg9[%get3A_49, %get3A_50] {strides = array<i32>} : memref<21x16xi32, #tpu.memory_space<vmem>>, vector<16xi32>,
    %get3A_52 = arith.constant 12 : i32
    %get3A_53 = arith.index_cast %get3A_52 : i32 to index
    %get3A_54 = arith.constant 0 : index
    %get3A_55 = tpu.vector_load %arg9[%get3A_53, %get3A_54] {strides = array<i32>} : memref<21x16xi32, #tpu.memory_space<vmem>>, vector<16xi32>,
    %get3A_56 = arith.constant 13 : i32
    %get3A_57 = arith.index_cast %get3A_56 : i32 to index
    %get3A_58 = arith.constant 0 : index
    %get3A_59 = tpu.vector_load %arg9[%get3A_57, %get3A_58] {strides = array<i32>} : memref<21x16xi32, #tpu.memory_space<vmem>>, vector<16xi32>,
    %get3A_60 = arith.constant 14 : i32
    %get3A_61 = arith.index_cast %get3A_60 : i32 to index
    %get3A_62 = arith.constant 0 : index
    %get3A_63 = tpu.vector_load %arg9[%get3A_61, %get3A_62] {strides = array<i32>} : memref<21x16xi32, #tpu.memory_space<vmem>>, vector<16xi32>,
    %get3A_64 = arith.constant 15 : i32
    %get3A_65 = arith.index_cast %get3A_64 : i32 to index
    %get3A_66 = arith.constant 0 : index
    %get3A_67 = tpu.vector_load %arg9[%get3A_65, %get3A_66] {strides = array<i32>} : memref<21x16xi32, #tpu.memory_space<vmem>>, vector<16xi32>,
    %get3A_68 = arith.constant 16 : i32
    %get3A_69 = arith.index_cast %get3A_68 : i32 to index
    %get3A_70 = arith.constant 0 : index
    %get3A_71 = tpu.vector_load %arg9[%get3A_69, %get3A_70] {strides = array<i32>} : memref<21x16xi32, #tpu.memory_space<vmem>>, vector<16xi32>,
    %get3A_72 = arith.constant 17 : i32
    %get3A_73 = arith.index_cast %get3A_72 : i32 to index
    %get3A_74 = arith.constant 0 : index
    %get3A_75 = tpu.vector_load %arg9[%get3A_73, %get3A_74] {strides = array<i32>} : memref<21x16xi32, #tpu.memory_space<vmem>>, vector<16xi32>,
    %get3A_76 = arith.constant 18 : i32
    %get3A_77 = arith.index_cast %get3A_76 : i32 to index
    %get3A_78 = arith.constant 0 : index
    %get3A_79 = tpu.vector_load %arg9[%get3A_77, %get3A_78] {strides = array<i32>} : memref<21x16xi32, #tpu.memory_space<vmem>>, vector<16xi32>,
    %get3A_80 = arith.constant 19 : i32
    %get3A_81 = arith.index_cast %get3A_80 : i32 to index
    %get3A_82 = arith.constant 0 : index
    %get3A_83 = tpu.vector_load %arg9[%get3A_81, %get3A_82] {strides = array<i32>} : memref<21x16xi32, #tpu.memory_space<vmem>>, vector<16xi32>,
    %get3A_84 = arith.constant 20 : i32
    %get3A_85 = arith.index_cast %get3A_84 : i32 to index
    %get3A_86 = arith.constant 0 : index
    %get3A_87 = tpu.vector_load %arg9[%get3A_85, %get3A_86] {strides = array<i32>} : memref<21x16xi32, #tpu.memory_space<vmem>>, vector<16xi32>,
    %parallel_loop3A = arith.constant 0 : i32
    %parallel_loop3A_88 = arith.constant 256 : i32
    %parallel_loop3A_89 = arith.constant 1 : i32
    scf.for %parallel_loop3A_90 = %parallel_loop3A to %parallel_loop3A_88 step %parallel_loop3A_89  : i32 {
      %parallel_loop3A_91 = arith.constant 2 : i32
      %parallel_loop3A_92 = arith.muli %parallel_loop3A_91, %parallel_loop3A_90 : i32
      %parallel_loop3A_93 = arith.constant 4 : i32
      %parallel_loop3A_94 = arith.shrsi %parallel_loop3A_90, %parallel_loop3A_93 : i32
      %parallel_loop3A_95 = vector.broadcast %parallel_loop3A_94 : i32 to vector<16xi32>
      %parallel_loop3A_96 = arith.addi %get3A_87, %parallel_loop3A_95 : vector<16xi32>
      %parallel_loop3A_97 = arith.constant 15 : i32
      %parallel_loop3A_98 = arith.andi %parallel_loop3A_90, %parallel_loop3A_97 : i32
      %parallel_loop3A_99 = arith.constant 3 : i32
      %parallel_loop3A_100 = arith.shli %parallel_loop3A_98, %parallel_loop3A_99 : i32
      %parallel_loop3A_101 = vector.broadcast %parallel_loop3A_100 : i32 to vector<16xi32>
      %parallel_loop3A_102 = arith.addi %get3A_7, %parallel_loop3A_101 : vector<16xi32>
      %parallel_loop3A_103 = tpu.vector_load_idx %arg6[%parallel_loop3A_96, %parallel_loop3A_102] : memref<16x128xi32, #tpu.memory_space<vmem>>[vector<16xi32>, vector<16xi32>], vector<16xi32>,
      %parallel_loop3A_104 = tpu.vector_load_idx %arg7[%parallel_loop3A_103, %get3A_27] : memref<100x10xf32, #tpu.memory_space<vmem>>[vector<16xi32>, vector<16xi32>], vector<16xf32>,
      %parallel_loop3A_105 = vector.broadcast %parallel_loop3A_92 : i32 to vector<16xi32>
      %parallel_loop3A_106 = arith.addi %get3A_47, %parallel_loop3A_105 : vector<16xi32>
      tpu.vector_store_idx %arg8[%parallel_loop3A_106, %get3A_67], %parallel_loop3A_104 : memref<512x40xf32, #tpu.memory_space<vmem>>[vector<16xi32>, vector<16xi32>], vector<16xf32>,
      %parallel_loop3A_107 = vector.broadcast %parallel_loop3A_100 : i32 to vector<16xi32>
      %parallel_loop3A_108 = arith.addi %get3A_11, %parallel_loop3A_107 : vector<16xi32>
      %parallel_loop3A_109 = tpu.vector_load_idx %arg6[%parallel_loop3A_96, %parallel_loop3A_108] : memref<16x128xi32, #tpu.memory_space<vmem>>[vector<16xi32>, vector<16xi32>], vector<16xi32>,
      %parallel_loop3A_110 = tpu.vector_load_idx %arg7[%parallel_loop3A_109, %get3A_31] : memref<100x10xf32, #tpu.memory_space<vmem>>[vector<16xi32>, vector<16xi32>], vector<16xf32>,
      %parallel_loop3A_111 = vector.broadcast %parallel_loop3A_92 : i32 to vector<16xi32>
      %parallel_loop3A_112 = arith.addi %get3A_51, %parallel_loop3A_111 : vector<16xi32>
      tpu.vector_store_idx %arg8[%parallel_loop3A_112, %get3A_71], %parallel_loop3A_110 : memref<512x40xf32, #tpu.memory_space<vmem>>[vector<16xi32>, vector<16xi32>], vector<16xf32>,
      %parallel_loop3A_113 = vector.broadcast %parallel_loop3A_100 : i32 to vector<16xi32>
      %parallel_loop3A_114 = arith.addi %get3A_15, %parallel_loop3A_113 : vector<16xi32>
      %parallel_loop3A_115 = tpu.vector_load_idx %arg6[%parallel_loop3A_96, %parallel_loop3A_114] : memref<16x128xi32, #tpu.memory_space<vmem>>[vector<16xi32>, vector<16xi32>], vector<16xi32>,
      %parallel_loop3A_116 = tpu.vector_load_idx %arg7[%parallel_loop3A_115, %get3A_35] : memref<100x10xf32, #tpu.memory_space<vmem>>[vector<16xi32>, vector<16xi32>], vector<16xf32>,
      %parallel_loop3A_117 = vector.broadcast %parallel_loop3A_92 : i32 to vector<16xi32>
      %parallel_loop3A_118 = arith.addi %get3A_55, %parallel_loop3A_117 : vector<16xi32>
      tpu.vector_store_idx %arg8[%parallel_loop3A_118, %get3A_75], %parallel_loop3A_116 : memref<512x40xf32, #tpu.memory_space<vmem>>[vector<16xi32>, vector<16xi32>], vector<16xf32>,
      %parallel_loop3A_119 = vector.broadcast %parallel_loop3A_100 : i32 to vector<16xi32>
      %parallel_loop3A_120 = arith.addi %get3A_19, %parallel_loop3A_119 : vector<16xi32>
      %parallel_loop3A_121 = tpu.vector_load_idx %arg6[%parallel_loop3A_96, %parallel_loop3A_120] : memref<16x128xi32, #tpu.memory_space<vmem>>[vector<16xi32>, vector<16xi32>], vector<16xi32>,
      %parallel_loop3A_122 = tpu.vector_load_idx %arg7[%parallel_loop3A_121, %get3A_39] : memref<100x10xf32, #tpu.memory_space<vmem>>[vector<16xi32>, vector<16xi32>], vector<16xf32>,
      %parallel_loop3A_123 = vector.broadcast %parallel_loop3A_92 : i32 to vector<16xi32>
      %parallel_loop3A_124 = arith.addi %get3A_59, %parallel_loop3A_123 : vector<16xi32>
      tpu.vector_store_idx %arg8[%parallel_loop3A_124, %get3A_79], %parallel_loop3A_122 : memref<512x40xf32, #tpu.memory_space<vmem>>[vector<16xi32>, vector<16xi32>], vector<16xf32>,
      %parallel_loop3A_125 = vector.broadcast %parallel_loop3A_100 : i32 to vector<16xi32>
      %parallel_loop3A_126 = arith.addi %get3A_23, %parallel_loop3A_125 : vector<16xi32>
      %parallel_loop3A_127 = tpu.vector_load_idx %arg6[%parallel_loop3A_96, %parallel_loop3A_126] : memref<16x128xi32, #tpu.memory_space<vmem>>[vector<16xi32>, vector<16xi32>], vector<16xi32>,
      %parallel_loop3A_128 = tpu.vector_load_idx %arg7[%parallel_loop3A_127, %get3A_43] : memref<100x10xf32, #tpu.memory_space<vmem>>[vector<16xi32>, vector<16xi32>], vector<16xf32>,
      %parallel_loop3A_129 = vector.broadcast %parallel_loop3A_92 : i32 to vector<16xi32>
      %parallel_loop3A_130 = arith.addi %get3A_63, %parallel_loop3A_129 : vector<16xi32>
      tpu.vector_store_idx %arg8[%parallel_loop3A_130, %get3A_83], %parallel_loop3A_128 : memref<512x40xf32, #tpu.memory_space<vmem>>[vector<16xi32>, vector<16xi32>], vector<16xf32>,
    } {sc.loop_unroll_factor = 8 : i64, sc.parallel_access}
    "tpu.region"() ({
      %run_scoped3A = tpu.sem_alloc : memref<!tpu.dma_semaphore, #tpu.memory_space<semaphore_mem>>
      %dma_start3A = arith.constant 0 : i32
      %dma_start3A_90 = tpu.memref_slice %arg5[%mul3A_2, %dma_start3A] : memref<16384x40xf32, #tpu.memory_space<hbm>> -> memref<512x40xf32, #tpu.memory_space<hbm>>
      %dma_start3A_91 = arith.constant 0 : i32
      %dma_start3A_92 = tpu.memref_slice %arg5[%mul3A_2, %dma_start3A_91] : memref<16384x40xf32, #tpu.memory_space<hbm>> -> memref<512x40xf32, #tpu.memory_space<hbm>>
      tpu.enqueue_dma source(%arg8 : memref<512x40xf32, #tpu.memory_space<vmem>>) target(%dma_start3A_92 : memref<512x40xf32, #tpu.memory_space<hbm>>) target_semaphore(%run_scoped3A : memref<!tpu.dma_semaphore, #tpu.memory_space<semaphore_mem>>)
      %dma_wait3A = arith.constant 0 : i32
      %dma_wait3A_93 = tpu.memref_slice %arg5[%mul3A_2, %dma_wait3A] : memref<16384x40xf32, #tpu.memory_space<hbm>> -> memref<512x40xf32, #tpu.memory_space<hbm>>
      %dma_wait3A_94 = arith.constant 0 : i32
      %dma_wait3A_95 = tpu.memref_slice %arg5[%mul3A_2, %dma_wait3A_94] : memref<16384x40xf32, #tpu.memory_space<hbm>> -> memref<512x40xf32, #tpu.memory_space<hbm>>
      tpu.wait_dma2 semaphore(%run_scoped3A : memref<!tpu.dma_semaphore, #tpu.memory_space<semaphore_mem>>) src(%arg8 : memref<512x40xf32, #tpu.memory_space<vmem>>) dst(%dma_wait3A_95 : memref<512x40xf32, #tpu.memory_space<hbm>>)
      tpu.yield
    }) : () -> ()
    return
  }
}

</mosaic_0001>

<sc_bundles>
// kernel: kernel.3.cloned.1.call-start
scs
__scs_entry_jumppad:
0x0: {  	(pc) =	sbr.rel $0x88, $3  }
0x1: {  	(tag) =	ssettag $0x0;
	lr =	simm.s32 $0x1  }
0x2: {  	[smem:$0x3F9F] =	sst lr;
	_ =	strace $0xD0000000  }
0x3: {  	_ = 	snop  }
0x4: {  	_ = 	snop  }
0x5: {  	_ = 	snop  }
0x6: {  	_ = 	snop  }
0x7: {  	_ = 	snop  }
__scs_overlays_trampoline_lowered:
0x8: {  	[smem:$0x3FAE] =	sst s0  }
0x9: {  	[smem:$0x3FAF] =	sst s1  }
0xa: {  	[smem:$0x3FB0] =	sst s2  }
0xb: {  	[smem:$0x3FB1] =	sst s3  }
0xc: {  	[smem:$0x3FB2] =	sst s4  }
0xd: {  	[smem:$0x3FB3] =	sst s5  }
0xe: {  	[smem:$0x3FB4] =	sst s6  }
0xf: {  	[smem:$0x3FB5] =	sst s7  }
0x10: {  	[smem:$0x3FB6] =	sst s8  }
0x11: {  	[smem:$0x3FB7] =	sst s9;
	s0 =	simm.s32 @!p0 $0x0  }
0x12: {  	s1 =	sld [smem:$0x3F9D];
	s0 =	simm.s32 @p0 $0x1  }
0x13: {  	[smem:$0x3FB8] =	sst s0;
	s0 =	simm.s32 @!p1 $0x0  }
0x14: {  	s2 =	sld [smem:$0x3F9C];
	s0 =	simm.s32 @p1 $0x1  }
0x15: {  	[smem:$0x3FB9] =	sst s0;
	s0 =	simm.s32 @!p2 $0x0  }
0x16: {  	s3 =	sld [smem:$0x3FDB];
	s0 =	simm.s32 @p2 $0x1  }
0x17: {  	s4 =	simm.s32 $0x1BF5;
	[smem:$0x3FBB] =	sst s0  }
0x18: {  	s0 =	sld [smem:$0x3F9E];
	_ =	swait.ge [sflag:s4], $0x0  }
0x19: {  	s7 =	sld [smem:$0x3F9F]  }
0x1a: {  	s8 =	sadd.s32 $0xFFFFE003, lr  }
0x1b: {  	s9 =	sadd.s32 $0xFFFFFEF7, lr;
	s5 =	simm.s32 $0xFFFFFFFF;
	p2 =	slt.u32 s8, $0xFFFFF086  }
0x1c: {  	p1 =	slt.u32 s9, $0xF7A;
	s5 =	simm.s32 @!p2 $0x0  }
0x1d: {  	s5 =	simm.s32 @p1 $0x1;
	p0 =	seq.s32 s7, s2  }
0x1e: {  	s7 =	smul.u32 @!p0 $0xF7A, s2;
	p2 =	seq.s32 @!p0 s5, $0x0  }
0x1f: {  	s9 =	smul.u32 $0xF7A, s1;
	s8 =	simm.s32 @!p0 $0x1BF5;
	p2 =	por !p2, p0  }
0x20: {  	[sflag:s8] =	ssyncset.s32 @!p0 $0xFFFFF086;
	s6 =	sadd.s32 @!p0 s3, s7;
	s7 =	simm.s32 @!p0 $0x108  }
0x21: {  	s3 =	sadd.s32 s3, s9;
	s6 =	sadd.s32 @!p0 $0x88, s6;
	s7 =	simm.s32 @p2 $0x1082  }
0x22: {  	[simem:s7], [sflag:s8] =	dma.local @!p0 [hbm:s6], $0xF7A  }
0x23: {  	s9 =	sor.u32 $0xD0000000, s2;
	s6 =	simm.s32 $0x108;
	_ =	swait.ge @!p0 [sflag:s8], $0x0  }
0x24: {  	s3 =	sadd.s32 $0x88, s3;
	s6 =	simm.s32 @!p1 $0x1082;
	[sflag:s4] =	ssyncset.s32 $0xFFFFF086  }
0x25: {  	[simem:s6], [sflag:s4] =	dma.local [hbm:s3], $0xF7A  }
0x26: {  	[smem:$0x3F9F] =	sst s1;
	(tag) =	ssettag s2;
	_ =	strace s9  }
0x27: {  	s1 =	sld [smem:$0x3FAF]  }
0x28: {  	s2 =	sld [smem:$0x3FB0]  }
0x29: {  	s4 =	sld [smem:$0x3FB2]  }
0x2a: {  	p0 =	seq.s32 s5, $0x0;
	s5 =	sld [smem:$0x3FB3]  }
0x2b: {  	s6 =	sld [smem:$0x3FB4]  }
0x2c: {  	s7 =	sld [smem:$0x3FB5]  }
0x2d: {  	s3 =	simm.s32 $0x108;
	s8 =	sld [smem:$0x3FB6]  }
0x2e: {  	s3 =	simm.s32 @!p0 $0x1082;
	s9 =	sld [smem:$0x3FB7]  }
0x2f: {  	lr =	sadd.s32 s0, s3;
	s0 =	sld [smem:$0x3FAE]  }
0x30: {  	s3 =	sld [smem:$0x3FB1]  }
0x31: {  	[smem:$0x3FBA] =	sst s10  }
0x32: {  	s10 =	sld [smem:$0x3FB8];
	_ =	sdelay $0x3  }
0x33: {  	p0 =	seq.s32 s10, $0x1;
	s10 =	sld [smem:$0x3FBA];
	_ =	sdelay $0x3  }
0x34: {  	[smem:$0x3FBA] =	sst s10  }
0x35: {  	s10 =	sld [smem:$0x3FB9];
	_ =	sdelay $0x3  }
0x36: {  	p1 =	seq.s32 s10, $0x1;
	s10 =	sld [smem:$0x3FBA];
	_ =	sdelay $0x3  }
0x37: {  	[smem:$0x3FBA] =	sst s10  }
0x38: {  	s10 =	sld [smem:$0x3FBB]  }
0x39: {  	_ = 	snop;
	(pc) =	sbr.ind lr, $3  }
0x3a: {  	_ = 	snop  }
0x3b: {  	_ = 	snop  }
0x3c: {  	p2 =	seq.s32 s10, $0x1;
	s10 =	sld [smem:$0x3FBA]  }
0x3d: {  	_ =	shalt  }
0x3e: {  	_ =	shalt  }
0x3f: {  	_ =	shalt  }
0x40: {  	_ =	shalt  }
0x41: {  	_ =	shalt  }
0x42: {  	_ =	shalt  }
0x43: {  	_ =	shalt  }
0x44: {  	_ =	shalt  }
0x45: {  	_ =	shalt  }
0x46: {  	_ =	shalt  }
0x47: {  	_ =	shalt  }
0x48: {  	_ =	shalt  }
0x49: {  	_ =	shalt  }
0x4a: {  	_ =	shalt  }
0x4b: {  	_ =	shalt  }
0x4c: {  	_ =	shalt  }
0x4d: {  	_ =	shalt  }
0x4e: {  	_ =	shalt  }
0x4f: {  	_ =	shalt  }
0x50: {  	_ =	shalt  }
0x51: {  	_ =	shalt  }
0x52: {  	_ =	shalt  }
0x53: {  	_ =	shalt  }
0x54: {  	_ =	shalt  }
0x55: {  	_ =	shalt  }
0x56: {  	_ =	shalt  }
0x57: {  	_ =	shalt  }
0x58: {  	_ =	shalt  }
0x59: {  	_ =	shalt  }
0x5a: {  	_ =	shalt  }
0x5b: {  	_ =	shalt  }
0x5c: {  	_ =	shalt  }
0x5d: {  	_ =	shalt  }
0x5e: {  	_ =	shalt  }
0x5f: {  	_ =	shalt  }
0x60: {  	_ =	shalt  }
0x61: {  	_ =	shalt  }
0x62: {  	_ =	shalt  }
0x63: {  	_ =	shalt  }
0x64: {  	_ =	shalt  }
0x65: {  	_ =	shalt  }
0x66: {  	_ =	shalt  }
0x67: {  	_ =	shalt  }
0x68: {  	_ =	shalt  }
0x69: {  	_ =	shalt  }
0x6a: {  	_ =	shalt  }
0x6b: {  	_ =	shalt  }
0x6c: {  	_ =	shalt  }
0x6d: {  	_ =	shalt  }
0x6e: {  	_ =	shalt  }
0x6f: {  	_ =	shalt  }
0x70: {  	_ =	shalt  }
0x71: {  	_ =	shalt  }
0x72: {  	_ =	shalt  }
0x73: {  	_ =	shalt  }
0x74: {  	_ =	shalt  }
0x75: {  	_ =	shalt  }
0x76: {  	_ =	shalt  }
0x77: {  	_ =	shalt  }
0x78: {  	_ =	shalt  }
0x79: {  	_ =	shalt  }
0x7a: {  	_ =	shalt  }
0x7b: {  	_ =	shalt  }
0x7c: {  	_ =	shalt  }
0x7d: {  	_ =	shalt  }
0x7e: {  	_ =	shalt  }
0x7f: {  	_ =	shalt  }
0x80: {  	_ =	shalt  }
0x81: {  	_ =	shalt  }
0x82: {  	_ =	shalt  }
0x83: {  	_ =	shalt  }
0x84: {  	_ =	shalt  }
0x85: {  	_ =	shalt  }
0x86: {  	_ =	shalt  }
0x87: {  	_ =	shalt  }
.Lfunc_end0:
.L_simem_size_0:
called_computation_lowered:
.L_overlay_start_0:
0x88: {  	s2 =	sld [smem:$0x3FD9]  }
0x89: {  	s3 =	sld [smem:$0x3FFE];
	_ =	sdelay $0x1  }
0x8a: {  	s1 =	srdreg.scid  }
0x8b: {  	s0 =	sand.u32 $0x1, s1  }
0x8c: {  	s17 =	sshll.u32 s0, $0xA;
	s2 =	sadd.s32 s3, s2  }
0x8d: {  	s2 =	sadd.s32 s2, s17  }
0x8e: {  	[smem:$0x3FC6] =	sst s2  }
0x8f: {  	_ = 	snop  }
0x90: {  	s2 =	sld [smem:$0x3FD0];
	(tm) =	ssettm $0x1  }
0x91: {  	s18 =	sld [smem:$0x3FFB];
	_ =	sdelay $0x3  }
0x92: {  	_ =	strace s18  }
0x93: {  	s3 =	sld [smem:$0x3FFC];
	_ =	sdelay $0x3  }
0x94: {  	_ =	strace s3  }
0x95: {  	s3 =	sld [smem:$0x3FFD];
	_ =	sdelay $0x3  }
0x96: {  	_ =	strace s3  }
0x97: {  	_ =	strace $0x8FFFFFFF  }
0x98: {  	s19 =	sld [smem:$0x3FDB];
	_ =	sdelay $0x1  }
0x99: {  	s4 =	simm.s32 $_scs_section_size  }
0x9a: {  	s5 =	simm.s32 $_size__tile_overlayer_lowered;
	s6 =	simm.s32 $_tile_overlayer_lowered  }
0x9b: {  	s22 =	simm.s32 $0x1BFF;
	s21 =	sshll.u32 s6, $0x1;
	s3 =	sadd.s32 s4, s19  }
0x9c: {  	s7 =	simm.s32 $0x0;
	s20 =	sshll.u32 s5, $0x1;
	s5 =	sadd.s32 s21, s3  }
0x9d: {  	[timem:s7], [sflag:s22] =	dma.local [hbm:s5], s20  }
0x9e: {  	_ =	swait.ge [sflag:s22], s20  }
0x9f: {  	s4 =	ssub.s32 $0x0, s20;
	[sflag:s22] =	ssyncset.done $0x0  }
0xa0: {  	[sflag:s22] =	ssyncadd.s32 s4;
	_ =	sdelay $0x1  }
0xa1: {  	s23 =	simm.s32 $0x1B8B  }
0xa2: {  	_ =	swait.ge [sflag:s23], $0x1  }
0xa3: {  	[sflag:s23] =	ssyncset.done $0x0  }
0xa4: {  	s25 =	simm.s32 $0x1B8E;
	s24 =	sld [smem:$0x3FFE];
	[sflag:s23] =	ssyncadd.s32 $0xFFFFFFFF  }
0xa5: {  	s26 =	simm.s32 $execute0_lowered;
	[smem:$0x3FD2] =	sst s25  }
0xa6: {  	s5 =	sshll.u32 s26, $0x1;
	_ =	strace $0x80000046;
	[dreg:$0x1] =	wrdreg $0xFFFFFFFF  }
0xa7: {  	s28 =	simm.s32 $_size_execute0_lowered;
	s3 =	sadd.s32 s3, s5;
	[dreg:$0x0] =	wrdreg $0x0  }
0xa8: {  	s5 =	sshll.u32 s28, $0x1;
	[dreg:$0x2] =	wrdreg s3  }
0xa9: {  	[dreg:$0x3] =	wrdreg s5  }
0xaa: {  	[dreg:$0x4] =	wrdreg $0xC0  }
0xab: {  	_ =	task [dreg:s7], $0x5FFFF  }
0xac: {  	[dreg:$0x1] =	wrdreg $0xFFFFFFFF  }
0xad: {  	[dreg:$0x0] =	wrdreg $0x60  }
0xae: {  	[dreg:$0x2] =	wrdreg s24  }
0xaf: {  	[dreg:$0x3] =	wrdreg s2  }
0xb0: {  	[dreg:$0x4] =	wrdreg $0x9  }
0xb1: {  	_ =	task.clear_ibuf [dreg:s7], $0x5FFFF;
	_ =	strace $0x90000046  }
0xb2: {  	s29 =	simm.s32 $0x9;
	_ =	strace $0x80000048  }
0xb3: {  	_ =	swait.ge [sflag:s29], $0x1  }
0xb4: {  	[sflag:s29] =	ssyncadd.s32 $0xFFFFFFFF  }
0xb5: {  	_ =	strace $0x90000048  }
0xb6: {  	_ =	sfence  }
0xb7: {  	s30 =	sld [smem:$0x0];
	_ =	sdelay $0x2  }
0xb8: {  	s31 =	sshll.u32 s1, $0xD;
	s1 =	sshrl.u32 s1, $0x2  }
0xb9: {  	s3 =	sand.u32 $0x4000, s31;
	s1 =	sadd.s32 s1, s30  }
0xba: {  	s0 =	sor.u32 s3, s0;
	s1 =	sshll.u32 s1, $0x11  }
0xbb: {  	s0 =	sor.u32 s1, s0  }
0xbc: {  	s0 =	sadd.s32 $0x8F2B, s0  }
0xbd: {  	[sflag:s0] =	ssyncadd.remote.s32 $0x1  }
0xbe: {  	_ =	sfence.sel $0xFFFF  }
0xbf: {  	[dreg:$0x0] =	wrdreg $0xFFFFFFFF;
	(pc) =	sbr.abs _section_cstart, $3  }
0xc0: {  	[dreg:$0x1] =	wrdreg $0xFFFFFFFF  }
0xc1: {  	_ =	task.clear_ibuf [dreg:s7], $0x2FFFF;
	_ =	strace $0x9FFFFFFF  }
0xc2: {  	(tm) =	ssettm $0x7FFFFFFF  }
0xc3: {  	_ =	shalt  }
tec
execute0_lowered:
.L_overlay_start_1:
0x0: {  	(tag) =	ssettag $0x1  }
0x1: {  	s4 =	rddreg [dreg:$0x0]  }
0x2: {  	s6 =	rddreg [dreg:$0x1]  }
0x3: {  	s0 =	rddreg [dreg:$0x2]  }
0x4: {  	s3 =	srdreg.scid;
	s1 =	stileid.u32;
	s2 =	simm.s32 $0x0  }
0x5: {  	s10 =	simm.s32 $0x5E40;
	s11 =	simm.s32 $0xE40;
	s12 =	simm.s32 $0x0  }
0x6: {  	s3 =	sand.u32 $0x1, s3;
	s5 =	sshll.u32 s1, $0x1;
	[smem:$0x7FF] =	sst s2  }
0x7: {  	s5 =	sor.u32 s3, s5;
	_ =	strace $0x80000047;
	s8 =	ssub.s32 $0x2, s3  }
0x8: {  	s3 =	sadd.s32 $0x600, s4;
	s7 =	sshll.u32 s5, $0x8;
	s9 =	smul.u32 $0xA00, s5  }
0x9: {  	s31 =	sshrl.u32 s8, $0x1;
	s7 =	sadd.s32 s7, s4;
	s4 =	sadd.s32 $0x400, s4  }
0xa: {  	s8 =	ssub.s32 s8, s31;
	s5 =	sadd.s32 $0x800, s7;
	s6 =	sadd.s32 s6, s9  }
0xb: {  	s7 =	smax.u32 s8, $0x1;
	s8 =	simm.s32 $0x1;
	s9 =	simm.s32 $0x800  }
.LBB2_1:
0xc: {  	[tilespmem:s2], [sflag:$0x1] =	stream.linear.gather [hbm4b:s5+s2], $0x800, $0x38;
	[tilespmem:$0x5F90] =	vst v63  }
0xd: {  	_ =	swait.ge [sflag:s8], $0x800  }
0xe: {  	[sflag:s8] =	ssyncset.done $0x0  }
0xf: {  	[sflag:s8] =	ssyncadd.s32 $0xFFFFF800  }
0x10: {  	[tilespmem:s9], [sflag:$0x1] =	stream.linear.gather [hbm4b:s3+s2], $0x640, $0x38;
	[tilespmem:$0x5F90] =	vst v63  }
0x11: {  	_ =	swait.ge [sflag:s8], $0x640  }
0x12: {  	[sflag:s8] =	ssyncset.done $0x0  }
0x13: {  	[sflag:s8] =	ssyncadd.s32 $0xFFFFF9C0  }
0x14: {  	[tilespmem:s10], [sflag:$0x1] =	stream.linear.gather [hbm4b:s4+s2], $0x150, $0x38;
	[tilespmem:$0x5F90] =	vst v63  }
0x15: {  	_ =	swait.ge [sflag:s8], $0x150  }
0x16: {  	[sflag:s8] =	ssyncset.done $0x0  }
0x17: {  	[sflag:s8] =	ssyncadd.s32 $0xFFFFFEB0  }
0x18: {  	v0 =	vld [tilespmem:$0x5E40]  }
0x19: {  	v1 =	vld [tilespmem:$0x5E50]  }
0x1a: {  	v2 =	vld [tilespmem:$0x5E60]  }
0x1b: {  	v3 =	vld [tilespmem:$0x5F80]  }
0x1c: {  	v4 =	vld [tilespmem:$0x5E70]  }
0x1d: {  	s13 =	simm.s32 $0x38  }
0x1e: {  	s14 =	simm.s32 $0x0;
	s29 =	simm.s32 $0x0;
	s30 =	simm.s32 $0x8  }
0x1f: {  	s15 =	simm.s32 $0x10;
	s16 =	simm.s32 $0x18;
	s17 =	simm.s32 $0x20  }
0x20: {  	s31 =	simm.s32 $0x28;
	s21 =	simm.s32 $0x30;
	s28 =	sand.u32 $0x78, s13;
	v6 =	vand.u32 $0x7, v0;
	v7 =	vand.u32 $0x7, v1;
	v8 =	vand.u32 $0x7, v2  }
0x21: {  	s19 =	sand.u32 $0x40, s29;
	s18 =	sand.u32 $0x48, s30;
	s20 =	sand.u32 $0x58, s16;
	v10 =	vadd.s32 s14, v3;
	v11 =	vadd.s32 s28, v0;
	v9 =	vand.u32 $0x7, v4  }
0x22: {  	s16 =	sand.u32 $0x60, s17;
	s17 =	sand.u32 $0x68, s31;
	s21 =	sand.u32 $0x70, s21;
	v14 =	vadd.s32 s19, v0;
	v15 =	vadd.s32 s18, v0;
	v16 =	vadd.s32 s20, v0  }
0x23: {  	s15 =	sand.u32 $0x50, s15;
	v5 =	vld [tilespmem:$0x5E80];
	v18 =	vadd.s32 s16, v0;
	v20 =	vadd.s32 s17, v0;
	v21 =	vadd.s32 s21, v0  }
0x24: {  	v29 =	vadd.s32 s19, v1;
	v32 =	vadd.s32 s18, v1;
	v33 =	vadd.s32 s15, v1  }
0x25: {  	v34 =	vadd.s32 s20, v1;
	v35 =	vadd.s32 s16, v1;
	v36 =	vadd.s32 s17, v1  }
0x26: {  	v37 =	vadd.s32 s21, v1;
	v41 =	vadd.s32 s28, v1;
	v52 =	vadd.s32 s28, v2  }
0x27: {  	v54 =	vadd.s32 s16, v2;
	v26 =	vshll.u32 v10, $0x7;
	v11 =	vand.u32 $0xFFFFFFF8, v11  }
0x28: {  	v10 =	vand.u32 $0x7, v5;
	v19 =	vand.u32 $0xFFFFFFF8, v14;
	v22 =	vand.u32 $0xFFFFFFF8, v15  }
0x29: {  	v24 =	vand.u32 $0xFFFFFFF8, v16;
	v18 =	vand.u32 $0xFFFFFFF8, v18;
	v20 =	vand.u32 $0xFFFFFFF8, v20  }
0x2a: {  	v21 =	vand.u32 $0xFFFFFFF8, v21;
	v29 =	vand.u32 $0xFFFFFFF8, v29;
	v32 =	vand.u32 $0xFFFFFFF8, v32  }
0x2b: {  	v33 =	vand.u32 $0xFFFFFFF8, v33;
	v34 =	vand.u32 $0xFFFFFFF8, v34;
	v35 =	vand.u32 $0xFFFFFFF8, v35  }
0x2c: {  	v36 =	vand.u32 $0xFFFFFFF8, v36;
	v37 =	vand.u32 $0xFFFFFFF8, v37;
	v41 =	vand.u32 $0xFFFFFFF8, v41  }
0x2d: {  	v13 =	vld [tilespmem:$0x5EA0];
	v56 =	vand.u32 $0xFFFFFFF8, v52;
	v52 =	vadd.s32 s18, v2;
	v12 =	vadd.s32 v26, v11  }
0x2e: {  	v14 =	vld [tilespmem:$0x5EB0];
	v19 =	vadd.s32 v26, v19;
	v22 =	vadd.s32 v26, v22;
	v24 =	vadd.s32 v26, v24  }
0x2f: {  	v15 =	vld [tilespmem:$0x5EC0];
	v27 =	vadd.s32 v26, v18;
	v20 =	vadd.s32 v26, v20;
	v21 =	vadd.s32 v26, v21  }
0x30: {  	v16 =	vld [tilespmem:$0x5EE0];
	v29 =	vadd.s32 v26, v29;
	v32 =	vadd.s32 v26, v32;
	v33 =	vadd.s32 v26, v33  }
0x31: {  	v11 =	vld [tilespmem:$0x5E90];
	v34 =	vadd.s32 v26, v34;
	v35 =	vadd.s32 v26, v35;
	v17 =	vor.u32 v6, v12  }
0x32: {  	v18 =	vld [tilespmem:$0x5F00];
	v36 =	vadd.s32 v26, v36;
	v37 =	vadd.s32 v26, v37;
	v28 =	vor.u32 v6, v19  }
0x33: {  	v12 =	vadd.s32 s15, v0;
	v22 =	vor.u32 v6, v22;
	v24 =	vor.u32 v6, v24;
	v19 =	vld [tilespmem:$0x5F10]  }
0x34: {  	v27 =	vor.u32 v6, v27;
	v30 =	vor.u32 v6, v20;
	v20 =	vld [tilespmem:$0x5F20];
	v23 =	vand.u32 $0xFFFFFFF8, v12  }
0x35: {  	v31 =	vor.u32 v6, v21;
	v21 =	vld [tilespmem:$0x5F30];
	v29 =	vor.u32 v7, v29;
	v23 =	vadd.s32 v26, v23  }
0x36: {  	v32 =	vor.u32 v7, v32;
	v33 =	vor.u32 v7, v33;
	v23 =	vor.u32 v6, v23;
	v25 =	vld.idx.msk [tilespmem:v17+s2+$0x0], $0xffff  }
0x37: {  	s29 =	simm.s32 $0xE;
	s30 =	simm.s32 $0x0;
	v34 =	vor.u32 v7, v34;
	v35 =	vor.u32 v7, v35;
	v36 =	vor.u32 v7, v36;
	v28 =	vld.idx.msk [tilespmem:v28+s2+$0x0], $0xffff  }
0x38: {  	s22 =	simm.s32 $0x4;
	s23 =	simm.s32 $0x6;
	s31 =	simm.s32 $0x2;
	v37 =	vor.u32 v7, v37;
	v39 =	vadd.s32 s29, v16;
	v40 =	vadd.s32 s30, v16;
	v38 =	vld.idx.msk [tilespmem:v22+s2+$0x0], $0xffff  }
0x39: {  	s24 =	simm.s32 $0x8;
	s25 =	simm.s32 $0xA;
	s26 =	simm.s32 $0xC;
	v42 =	vadd.s32 s31, v16;
	v43 =	vadd.s32 s22, v16;
	v45 =	vadd.s32 s23, v16;
	v30 =	vld.idx.msk [tilespmem:v30+s2+$0x0], $0xffff  }
0x3a: {  	v47 =	vadd.s32 s24, v16;
	v49 =	vadd.s32 s25, v16;
	v50 =	vadd.s32 s26, v16;
	v31 =	vld.idx.msk [tilespmem:v31+s2+$0x0], $0xffff  }
0x3b: {  	v39 =	vmul.u32 $0x28, v39;
	v40 =	vmul.u32 $0x28, v40;
	v42 =	vmul.u32 $0x28, v42;
	v23 =	vld.idx.msk [tilespmem:v23+s2+$0x0], $0xffff  }
0x3c: {  	v12 =	vld [tilespmem:$0x5ED0];
	v57 =	vmul.u32 $0x28, v43;
	v58 =	vmul.u32 $0x28, v45;
	v25 =	vshll.u32 v25, $0x4  }
0x3d: {  	v59 =	vmul.u32 $0x28, v47;
	v17 =	vld [tilespmem:$0x5EF0];
	v28 =	vshll.u32 v28, $0x4;
	v25 =	vadd.s32 v11, v25  }
0x3e: {  	v60 =	vmul.u32 $0x28, v49;
	v24 =	vld.idx.msk [tilespmem:v24+s2+$0x0], $0xffff;
	v38 =	vshll.u32 v38, $0x4;
	v28 =	vadd.s32 v11, v28  }
0x3f: {  	v61 =	vmul.u32 $0x28, v50;
	v27 =	vld.idx.msk [tilespmem:v27+s2+$0x0], $0xffff;
	v30 =	vshll.u32 v30, $0x4;
	v38 =	vadd.s32 v11, v38  }
0x40: {  	v22 =	vld [tilespmem:$0x5F40];
	v31 =	vshll.u32 v31, $0x4;
	v30 =	vadd.s32 v11, v30;
	v23 =	vshll.u32 v23, $0x4  }
0x41: {  	v39 =	vadd.s32 v21, v39;
	v31 =	vadd.s32 v11, v31;
	v46 =	vadd.s32 v11, v23;
	v23 =	vld [tilespmem:$0x5F70]  }
0x42: {  	v40 =	vadd.s32 v21, v40;
	v42 =	vadd.s32 v21, v42;
	v43 =	vadd.s32 v21, v58;
	v44 =	vld.idx.msk [tilespmem:v25+s9+$0x0], $0xffff  }
0x43: {  	v45 =	vadd.s32 v21, v60;
	v47 =	vadd.s32 v21, v61;
	v61 =	vadd.s32 s19, v2;
	v28 =	vld.idx.msk [tilespmem:v28+s9+$0x0], $0xffff  }
0x44: {  	v27 =	vshll.u32 v27, $0x4;
	v62 =	vadd.s32 s30, v17;
	v25 =	vadd.s32 v26, v41;
	v38 =	vld.idx.msk [tilespmem:v38+s9+$0x0], $0xffff  }
0x45: {  	v63 =	vadd.s32 s31, v17;
	v51 =	vadd.s32 s29, v17;
	v30 =	vld.idx.msk [tilespmem:v30+s9+$0x0], $0xffff;
	v41 =	vor.u32 v7, v25  }
0x46: {  	v53 =	vadd.s32 s22, v17;
	v58 =	vadd.s32 s24, v17;
	v51 =	vmul.u32 $0x28, v51;
	v31 =	vld.idx.msk [tilespmem:v31+s9+$0x0], $0xffff  }
0x47: {  	v27 =	vadd.s32 v11, v27;
	v60 =	vmul.u32 $0x28, v62;
	v25 =	vshll.u32 v24, $0x4;
	v24 =	vld [tilespmem:$0x5F50]  }
0x48: {  	v62 =	vadd.s32 s26, v17;
	v51 =	vadd.s32 v22, v51;
	v48 =	vadd.s32 v11, v25;
	v25 =	vld [tilespmem:$0x5F60];
	[tilespmem:v39+s11+$0x0] =	vst.idx.msk $0xffff, v44  }
0x49: {  	v63 =	vmul.u32 $0x28, v63;
	v39 =	vadd.s32 v21, v57;
	v44 =	vadd.s32 v21, v59;
	[tilespmem:v40+s11+$0x0] =	vst.idx.msk $0xffff, v28  }
0x4a: {  	v28 =	vadd.s32 s23, v17;
	v57 =	vadd.s32 v26, v56;
	v59 =	vadd.s32 s25, v17;
	[tilespmem:v45+s11+$0x0] =	vst.idx.msk $0xffff, v30;
	v41 =	vld.idx.msk [tilespmem:v41+s2+$0x0], $0xffff  }
0x4b: {  	v30 =	vadd.s32 s20, v2;
	[tilespmem:v47+s11+$0x0] =	vst.idx.msk $0xffff, v31;
	v31 =	vmul.u32 $0x28, v62;
	v56 =	vadd.s32 s21, v2  }
0x4c: {  	v27 =	vld.idx.msk [tilespmem:v27+s9+$0x0], $0xffff;
	v45 =	vand.u32 $0xFFFFFFF8, v54;
	v62 =	vadd.s32 s22, v18;
	v54 =	vadd.s32 s23, v18  }
0x4d: {  	v46 =	vld.idx.msk [tilespmem:v46+s9+$0x0], $0xffff;
	[tilespmem:v42+s11+$0x0] =	vst.idx.msk $0xffff, v38;
	v38 =	vor.u32 v8, v57;
	v28 =	vmul.u32 $0x28, v28;
	v42 =	vmul.u32 $0x28, v59  }
0x4e: {  	v29 =	vld.idx.msk [tilespmem:v29+s2+$0x0], $0xffff;
	v57 =	vand.u32 $0xFFFFFFF8, v52;
	v30 =	vand.u32 $0xFFFFFFF8, v30;
	v59 =	vadd.s32 s28, v4  }
0x4f: {  	v32 =	vld.idx.msk [tilespmem:v32+s2+$0x0], $0xffff;
	v45 =	vadd.s32 v26, v45;
	v52 =	vmul.u32 $0x28, v54;
	v41 =	vshll.u32 v41, $0x4  }
0x50: {  	v36 =	vld.idx.msk [tilespmem:v36+s2+$0x0], $0xffff;
	v47 =	vadd.s32 v26, v57;
	v30 =	vadd.s32 v26, v30;
	v41 =	vadd.s32 v13, v41  }
0x51: {  	v37 =	vld.idx.msk [tilespmem:v37+s2+$0x0], $0xffff;
	v50 =	vand.u32 $0xFFFFFFF8, v59;
	v31 =	vadd.s32 v22, v31;
	v45 =	vor.u32 v8, v45  }
0x52: {  	v48 =	vld.idx.msk [tilespmem:v48+s9+$0x0], $0xffff;
	v28 =	vadd.s32 v22, v28;
	v50 =	vadd.s32 v26, v50;
	v42 =	vadd.s32 v22, v42  }
0x53: {  	v59 =	vadd.s32 s20, v4;
	v47 =	vor.u32 v8, v47;
	v30 =	vor.u32 v8, v30;
	[tilespmem:v39+s11+$0x0] =	vst.idx.msk $0xffff, v46  }
0x54: {  	v50 =	vor.u32 v9, v50;
	[tilespmem:v44+s11+$0x0] =	vst.idx.msk $0xffff, v27;
	v27 =	vmul.u32 $0x28, v53;
	v53 =	vadd.s32 s15, v2;
	v33 =	vld.idx.msk [tilespmem:v33+s2+$0x0], $0xffff  }
0x55: {  	v46 =	vand.u32 $0xFFFFFFF8, v61;
	v39 =	vadd.s32 v22, v60;
	v60 =	vadd.s32 s30, v18;
	v55 =	vld.idx.msk [tilespmem:v41+s9+$0x0], $0xffff  }
0x56: {  	v61 =	vadd.s32 s31, v18;
	v35 =	vld.idx.msk [tilespmem:v35+s2+$0x0], $0xffff;
	v29 =	vshll.u32 v29, $0x4;
	v32 =	vshll.u32 v32, $0x4  }
0x57: {  	v44 =	vand.u32 $0xFFFFFFF8, v53;
	v36 =	vshll.u32 v36, $0x4;
	[tilespmem:v43+s11+$0x0] =	vst.idx.msk $0xffff, v48;
	v29 =	vadd.s32 v13, v29  }
0x58: {  	v37 =	vshll.u32 v37, $0x4;
	v46 =	vadd.s32 v26, v46;
	v53 =	vadd.s32 s23, v19;
	v34 =	vld.idx.msk [tilespmem:v34+s2+$0x0], $0xffff  }
0x59: {  	v32 =	vadd.s32 v13, v32;
	v36 =	vadd.s32 v13, v36;
	v37 =	vadd.s32 v13, v37  }
0x5a: {  	v43 =	vand.u32 $0xFFFFFFF8, v56;
	v48 =	vadd.s32 v22, v63;
	v33 =	vshll.u32 v33, $0x4;
	[tilespmem:v51+s11+$0x0] =	vst.idx.msk $0xffff, v55  }
0x5b: {  	v27 =	vadd.s32 v22, v27;
	v35 =	vshll.u32 v35, $0x4;
	v33 =	vadd.s32 v13, v33;
	v38 =	vld.idx.msk [tilespmem:v38+s2+$0x0], $0xffff  }
0x5c: {  	v44 =	vadd.s32 v26, v44;
	v46 =	vor.u32 v8, v46;
	v35 =	vadd.s32 v13, v35;
	v29 =	vld.idx.msk [tilespmem:v29+s9+$0x0], $0xffff  }
0x5d: {  	v56 =	vadd.s32 s25, v18;
	v63 =	vadd.s32 s26, v18;
	v34 =	vshll.u32 v34, $0x4  }
0x5e: {  	v41 =	vmul.u32 $0x28, v58;
	v58 =	vadd.s32 s29, v18;
	v32 =	vld.idx.msk [tilespmem:v32+s9+$0x0], $0xffff;
	v34 =	vadd.s32 v13, v34  }
0x5f: {  	v43 =	vadd.s32 v26, v43;
	v44 =	vor.u32 v8, v44;
	v36 =	vld.idx.msk [tilespmem:v36+s9+$0x0], $0xffff;
	v49 =	vmul.u32 $0x28, v58  }
0x60: {  	v58 =	vadd.s32 s15, v4;
	v41 =	vadd.s32 v22, v41;
	v33 =	vld.idx.msk [tilespmem:v33+s9+$0x0], $0xffff;
	v38 =	vshll.u32 v38, $0x4  }
0x61: {  	v49 =	vadd.s32 v24, v49;
	v35 =	vld.idx.msk [tilespmem:v35+s9+$0x0], $0xffff;
	[tilespmem:v39+s11+$0x0] =	vst.idx.msk $0xffff, v29;
	v38 =	vadd.s32 v14, v38  }
0x62: {  	v55 =	vadd.s32 s17, v2;
	v51 =	vadd.s32 s18, v4;
	v39 =	vmul.u32 $0x28, v63;
	v57 =	vld.idx.msk [tilespmem:v46+s2+$0x0], $0xffff  }
0x63: {  	v40 =	vand.u32 $0xFFFFFFF8, v55;
	v55 =	vadd.s32 s24, v18;
	v46 =	vmul.u32 $0x28, v62;
	v34 =	vld.idx.msk [tilespmem:v34+s9+$0x0], $0xffff  }
0x64: {  	v37 =	vld.idx.msk [tilespmem:v37+s9+$0x0], $0xffff;
	[tilespmem:v48+s11+$0x0] =	vst.idx.msk $0xffff, v32;
	v62 =	vadd.s32 s21, v4;
	v54 =	vand.u32 $0xFFFFFFF8, v51;
	v40 =	vadd.s32 v26, v40  }
0x65: {  	v39 =	vadd.s32 v24, v39;
	v40 =	vor.u32 v8, v40;
	[tilespmem:v27+s11+$0x0] =	vst.idx.msk $0xffff, v33;
	v27 =	vld.idx.msk [tilespmem:v47+s2+$0x0], $0xffff  }
0x66: {  	v51 =	vadd.s32 s22, v20;
	v46 =	vadd.s32 v24, v46;
	v47 =	vmul.u32 $0x28, v55;
	[tilespmem:v41+s11+$0x0] =	vst.idx.msk $0xffff, v35;
	v38 =	vld.idx.msk [tilespmem:v38+s9+$0x0], $0xffff  }
0x67: {  	[tilespmem:v42+s11+$0x0] =	vst.idx.msk $0xffff, v36;
	v33 =	vand.u32 $0xFFFFFFF8, v59;
	v35 =	vand.u32 $0xFFFFFFF8, v62;
	v59 =	vadd.s32 s29, v19;
	v55 =	vld.idx.msk [tilespmem:v45+s2+$0x0], $0xffff  }
0x68: {  	v62 =	vadd.s32 s31, v19;
	v32 =	vshll.u32 v57, $0x4;
	v33 =	vadd.s32 v26, v33;
	[tilespmem:v28+s11+$0x0] =	vst.idx.msk $0xffff, v34;
	v28 =	vld.idx.msk [tilespmem:v44+s2+$0x0], $0xffff  }
0x69: {  	[tilespmem:v31+s11+$0x0] =	vst.idx.msk $0xffff, v37;
	v35 =	vadd.s32 v26, v35;
	v34 =	vmul.u32 $0x28, v56;
	v56 =	vand.u32 $0xFFFFFFF8, v58;
	v30 =	vld.idx.msk [tilespmem:v30+s2+$0x0], $0xffff  }
0x6a: {  	v32 =	vadd.s32 v14, v32;
	v44 =	vmul.u32 $0x28, v59;
	v33 =	vor.u32 v9, v33;
	v31 =	vld.idx.msk [tilespmem:v40+s2+$0x0], $0xffff  }
0x6b: {  	v35 =	vor.u32 v9, v35;
	v59 =	vadd.s32 s25, v19;
	v42 =	vadd.s32 v26, v56;
	[tilespmem:v49+s11+$0x0] =	vst.idx.msk $0xffff, v38  }
0x6c: {  	v56 =	vadd.s32 s20, v5;
	v44 =	vadd.s32 v25, v44;
	v34 =	vadd.s32 v24, v34;
	v29 =	vld.idx.msk [tilespmem:v50+s2+$0x0], $0xffff  }
0x6d: {  	v42 =	vor.u32 v9, v42;
	v27 =	vshll.u32 v27, $0x4;
	v28 =	vshll.u32 v28, $0x4  }
0x6e: {  	v27 =	vadd.s32 v14, v27;
	v36 =	vshll.u32 v55, $0x4;
	v28 =	vadd.s32 v14, v28  }
0x6f: {  	v36 =	vadd.s32 v14, v36;
	v30 =	vshll.u32 v30, $0x4;
	v31 =	vshll.u32 v31, $0x4  }
0x70: {  	v30 =	vadd.s32 v14, v30;
	v31 =	vadd.s32 v14, v31;
	v38 =	vor.u32 v8, v43  }
0x71: {  	v43 =	vmul.u32 $0x28, v60;
	v49 =	vadd.s32 s19, v4;
	v29 =	vshll.u32 v29, $0x4  }
0x72: {  	v32 =	vld.idx.msk [tilespmem:v32+s9+$0x0], $0xffff;
	v60 =	vadd.s32 s16, v4;
	v50 =	vmul.u32 $0x28, v61;
	v29 =	vadd.s32 v15, v29  }
0x73: {  	v61 =	vadd.s32 s17, v4;
	v63 =	vand.u32 $0xFFFFFFF8, v49;
	v57 =	vand.u32 $0xFFFFFFF8, v60;
	v28 =	vld.idx.msk [tilespmem:v28+s9+$0x0], $0xffff  }
0x74: {  	v27 =	vld.idx.msk [tilespmem:v27+s9+$0x0], $0xffff;
	v60 =	vadd.s32 s28, v5;
	v49 =	vadd.s32 v26, v54;
	v43 =	vadd.s32 v24, v43  }
0x75: {  	v58 =	vand.u32 $0xFFFFFFF8, v61;
	v45 =	vand.u32 $0xFFFFFFF8, v60;
	v41 =	vadd.s32 v26, v63;
	v31 =	vld.idx.msk [tilespmem:v31+s9+$0x0], $0xffff  }
0x76: {  	v48 =	vadd.s32 v24, v50;
	v40 =	vadd.s32 v26, v58;
	v41 =	vor.u32 v9, v41;
	v38 =	vld.idx.msk [tilespmem:v38+s2+$0x0], $0xffff  }
0x77: {  	v54 =	vand.u32 $0xFFFFFFF8, v56;
	v45 =	vadd.s32 v26, v45;
	v40 =	vor.u32 v9, v40;
	v29 =	vld.idx.msk [tilespmem:v29+s9+$0x0], $0xffff  }
0x78: {  	v30 =	vld.idx.msk [tilespmem:v30+s9+$0x0], $0xffff;
	v50 =	vadd.s32 v24, v52;
	v45 =	vor.u32 v10, v45;
	[tilespmem:v46+s11+$0x0] =	vst.idx.msk $0xffff, v28  }
0x79: {  	v61 =	vadd.s32 s30, v19;
	v37 =	vadd.s32 v26, v57;
	v63 =	vadd.s32 s22, v19;
	[tilespmem:v43+s11+$0x0] =	vst.idx.msk $0xffff, v32  }
0x7a: {  	v57 =	vadd.s32 s24, v19;
	v60 =	vadd.s32 s26, v19;
	v46 =	vadd.s32 v26, v54;
	v42 =	vld.idx.msk [tilespmem:v42+s2+$0x0], $0xffff;
	[tilespmem:v34+s11+$0x0] =	vst.idx.msk $0xffff, v31  }
0x7b: {  	v31 =	vmul.u32 $0x28, v60;
	[tilespmem:v48+s11+$0x0] =	vst.idx.msk $0xffff, v27;
	v27 =	vld.idx.msk [tilespmem:v41+s2+$0x0], $0xffff;
	v41 =	vmul.u32 $0x28, v61;
	v38 =	vshll.u32 v38, $0x4  }
0x7c: {  	v61 =	vadd.s32 s19, v5;
	v48 =	vmul.u32 $0x28, v63;
	v40 =	vld.idx.msk [tilespmem:v40+s2+$0x0], $0xffff;
	v38 =	vadd.s32 v14, v38;
	[tilespmem:v44+s11+$0x0] =	vst.idx.msk $0xffff, v29  }
0x7d: {  	[tilespmem:v50+s11+$0x0] =	vst.idx.msk $0xffff, v30;
	v63 =	vadd.s32 s15, v5;
	v30 =	vadd.s32 s29, v20;
	v44 =	vld.idx.msk [tilespmem:v45+s2+$0x0], $0xffff;
	v45 =	vor.u32 v9, v49  }
0x7e: {  	v36 =	vld.idx.msk [tilespmem:v36+s9+$0x0], $0xffff;
	v50 =	vmul.u32 $0x28, v53;
	v30 =	vmul.u32 $0x28, v30;
	v29 =	vadd.s32 v24, v47  }
0x7f: {  	v60 =	vand.u32 $0xFFFFFFF8, v61;
	v63 =	vand.u32 $0xFFFFFFF8, v63;
	v56 =	vadd.s32 v25, v41  }
0x80: {  	v43 =	vadd.s32 v26, v63;
	v27 =	vshll.u32 v27, $0x4;
	v47 =	vor.u32 v9, v37  }
0x81: {  	v30 =	vadd.s32 v23, v30;
	v61 =	vshll.u32 v42, $0x4;
	v27 =	vadd.s32 v15, v27;
	v32 =	vld.idx.msk [tilespmem:v38+s9+$0x0], $0xffff  }
0x82: {  	v40 =	vshll.u32 v40, $0x4;
	v38 =	vmul.u32 $0x28, v59;
	v59 =	vadd.s32 s21, v5;
	v28 =	vld.idx.msk [tilespmem:v45+s2+$0x0], $0xffff  }
0x83: {  	v40 =	vadd.s32 v15, v40;
	v34 =	vand.u32 $0xFFFFFFF8, v59;
	[tilespmem:v29+s11+$0x0] =	vst.idx.msk $0xffff, v36;
	v29 =	vld.idx.msk [tilespmem:v33+s2+$0x0], $0xffff;
	v33 =	vmul.u32 $0x28, v57  }
0x84: {  	v57 =	vadd.s32 s16, v5;
	v58 =	vshll.u32 v44, $0x4;
	v45 =	vmul.u32 $0x28, v62  }
0x85: {  	v62 =	vadd.s32 s18, v5;
	v47 =	vld.idx.msk [tilespmem:v47+s2+$0x0], $0xffff;
	v36 =	vand.u32 $0xFFFFFFF8, v57;
	v57 =	vadd.s32 v25, v48  }
0x86: {  	[tilespmem:$0x1FFB0] =	vst v30;
	v48 =	vadd.s32 v25, v50;
	v30 =	vadd.s32 v25, v31;
	v37 =	vadd.s32 v12, v58  }
0x87: {  	v58 =	vadd.s32 s17, v5;
	[tilespmem:v39+s11+$0x0] =	vst.idx.msk $0xffff, v32;
	v62 =	vand.u32 $0xFFFFFFF8, v62;
	v28 =	vshll.u32 v28, $0x4  }
0x88: {  	v39 =	vadd.s32 v15, v61;
	v32 =	vadd.s32 v26, v60;
	v28 =	vadd.s32 v15, v28  }
0x89: {  	v50 =	vadd.s32 v25, v33;
	v60 =	vor.u32 v10, v43;
	v29 =	vshll.u32 v29, $0x4  }
0x8a: {  	v61 =	vor.u32 v10, v46;
	v29 =	vadd.s32 v15, v29;
	v53 =	vshll.u32 v47, $0x4  }
0x8b: {  	v27 =	vld.idx.msk [tilespmem:v27+s9+$0x0], $0xffff;
	v33 =	vadd.s32 s30, v20;
	v55 =	vand.u32 $0xFFFFFFF8, v58;
	v44 =	vadd.s32 v15, v53  }
0x8c: {  	s13 =	simm.s32 $0x78;
	v35 =	vld.idx.msk [tilespmem:v35+s2+$0x0], $0xffff;
	v45 =	vadd.s32 v25, v45;
	v42 =	vadd.s32 v26, v62;
	v58 =	vadd.s32 v26, v36  }
0x8d: {  	s30 =	sand.u32 $0x78, s13;
	v36 =	vadd.s32 v25, v38;
	v59 =	vor.u32 v10, v32;
	v52 =	vmul.u32 $0x28, v33;
	v28 =	vld.idx.msk [tilespmem:v28+s9+$0x0], $0xffff  }
0x8e: {  	s22 =	simm.s32 $0x48;
	v54 =	vadd.s32 s30, v0;
	v31 =	vor.u32 v10, v42;
	v63 =	vor.u32 v10, v58;
	v39 =	vld.idx.msk [tilespmem:v39+s9+$0x0], $0xffff;
	[tilespmem:$0x1FFC0] =	vst v30  }
0x8f: {  	s15 =	sand.u32 $0x48, s22;
	v58 =	vadd.s32 s25, v20;
	v47 =	vadd.s32 v26, v55;
	v26 =	vadd.s32 v26, v34;
	v29 =	vld.idx.msk [tilespmem:v29+s9+$0x0], $0xffff  }
0x90: {  	s20 =	simm.s32 $0x0;
	s29 =	simm.s32 $0x70;
	v33 =	vadd.s32 s15, v0;
	v43 =	vmul.u32 $0x28, v58;
	v26 =	vor.u32 v10, v26;
	v62 =	vld.idx.msk [tilespmem:v44+s9+$0x0], $0xffff;
	[tilespmem:v56+s11+$0x0] =	vst.idx.msk $0xffff, v27  }
0x91: {  	v47 =	vor.u32 v10, v47;
	v53 =	vadd.s32 s20, v3;
	s20 =	sand.u32 $0x70, s29;
	v35 =	vshll.u32 v35, $0x4;
	v27 =	vld.idx.msk [tilespmem:v40+s9+$0x0], $0xffff;
	[tilespmem:$0x1FFD0] =	vst v26  }
0x92: {  	v58 =	vadd.s32 s20, v0;
	v41 =	vadd.s32 v15, v35;
	v56 =	vadd.s32 s23, v20;
	[tilespmem:v45+s11+$0x0] =	vst.idx.msk $0xffff, v28  }
0x93: {  	s25 =	simm.s32 $0x58;
	v26 =	vadd.s32 s31, v20;
	[tilespmem:v57+s11+$0x0] =	vst.idx.msk $0xffff, v39;
	v57 =	vand.u32 $0xFFFFFFF8, v54;
	v55 =	vld.idx.msk [tilespmem:v31+s2+$0x0], $0xffff;
	v31 =	vshll.u32 v53, $0x7  }
0x94: {  	s18 =	sand.u32 $0x58, s25;
	v26 =	vmul.u32 $0x28, v26;
	v39 =	vadd.s32 v23, v52;
	v45 =	vadd.s32 v31, v57  }
0x95: {  	v52 =	vand.u32 $0xFFFFFFF8, v58;
	v58 =	vadd.s32 s18, v1;
	v34 =	vld.idx.msk [tilespmem:v60+s2+$0x0], $0xffff;
	v45 =	vor.u32 v6, v45  }
0x96: {  	v60 =	vmul.u32 $0x28, v56;
	v58 =	vand.u32 $0xFFFFFFF8, v58;
	v28 =	vld.idx.msk [tilespmem:v59+s2+$0x0], $0xffff;
	v59 =	vadd.s32 s26, v20;
	[tilespmem:v48+s11+$0x0] =	vst.idx.msk $0xffff, v29  }
0x97: {  	s14 =	simm.s32 $0x1E;
	s21 =	simm.s32 $0x40;
	v40 =	vadd.s32 v23, v26;
	s26 =	simm.s32 $0x60;
	v29 =	vadd.s32 s24, v20;
	[tilespmem:v36+s11+$0x0] =	vst.idx.msk $0xffff, v27;
	v27 =	vmul.u32 $0x28, v51  }
0x98: {  	s28 =	simm.s32 $0x68;
	v46 =	vmul.u32 $0x28, v59;
	s24 =	sand.u32 $0x40, s21;
	s19 =	sand.u32 $0x60, s26;
	v59 =	vadd.s32 s14, v16;
	v42 =	vld.idx.msk [tilespmem:v61+s2+$0x0], $0xffff;
	v61 =	vmul.u32 $0x28, v29  }
0x99: {  	s17 =	sand.u32 $0x68, s28;
	v29 =	vadd.s32 v23, v60;
	v32 =	vadd.s32 s24, v0;
	v56 =	vadd.s32 s19, v0  }
0x9a: {  	v57 =	vadd.s32 s17, v0;
	v53 =	vmul.u32 $0x28, v59;
	v60 =	vadd.s32 s30, v1;
	v45 =	vld.idx.msk [tilespmem:v45+s2+$0x0], $0xffff  }
0x9b: {  	s23 =	simm.s32 $0x50;
	v52 =	vadd.s32 v31, v52;
	v59 =	vadd.s32 s19, v1;
	v58 =	vadd.s32 v31, v58  }
0x9c: {  	s16 =	sand.u32 $0x50, s23;
	[tilespmem:v50+s11+$0x0] =	vst.idx.msk $0xffff, v62;
	v38 =	vadd.s32 v23, v27;
	v50 =	vand.u32 $0xFFFFFFF8, v56;
	v51 =	vand.u32 $0xFFFFFFF8, v57  }
0x9d: {  	s21 =	simm.s32 $0x10;
	v54 =	vand.u32 $0xFFFFFFF8, v60;
	v57 =	vadd.s32 s16, v1;
	v52 =	vor.u32 v6, v52  }
0x9e: {  	v62 =	vld.idx.msk [tilespmem:v63+s2+$0x0], $0xffff;
	v59 =	vand.u32 $0xFFFFFFF8, v59;
	v60 =	vadd.s32 s21, v16;
	v58 =	vor.u32 v7, v58  }
0x9f: {  	v27 =	vadd.s32 v23, v61;
	v63 =	vshll.u32 v34, $0x4;
	v45 =	vshll.u32 v45, $0x4  }
0xa0: {  	v34 =	vadd.s32 s16, v0;
	v53 =	vadd.s32 v21, v53;
	v45 =	vadd.s32 v11, v45  }
0xa1: {  	v47 =	vld.idx.msk [tilespmem:v47+s2+$0x0], $0xffff;
	v54 =	vadd.s32 v31, v54;
	v50 =	vadd.s32 v31, v50;
	v26 =	vshll.u32 v28, $0x4  }
0xa2: {  	v51 =	vadd.s32 v31, v51;
	v44 =	vadd.s32 v12, v26;
	v30 =	vshll.u32 v42, $0x4  }
0xa3: {  	v26 =	vadd.s32 v23, v46;
	v46 =	vand.u32 $0xFFFFFFF8, v32;
	[tilespmem:$0x1FFE0] =	vst v30;
	v30 =	vshll.u32 v62, $0x4  }
0xa4: {  	v61 =	vadd.s32 s24, v1;
	v50 =	vor.u32 v6, v50;
	v46 =	vadd.s32 v31, v46;
	[tilespmem:$0x1FFF0] =	vst v30  }
0xa5: {  	v28 =	vadd.s32 v23, v43;
	v48 =	vand.u32 $0xFFFFFFF8, v34;
	v46 =	vor.u32 v6, v46;
	v45 =	vld.idx.msk [tilespmem:v45+s9+$0x0], $0xffff  }
0xa6: {  	v54 =	vor.u32 v7, v54;
	v36 =	vshll.u32 v47, $0x4;
	v47 =	vand.u32 $0xFFFFFFF8, v33  }
0xa7: {  	v51 =	vor.u32 v6, v51;
	v35 =	vshll.u32 v55, $0x4;
	v47 =	vadd.s32 v31, v47  }
0xa8: {  	v43 =	vadd.s32 v12, v35;
	v35 =	vadd.s32 s18, v0;
	v47 =	vor.u32 v6, v47  }
0xa9: {  	v60 =	vmul.u32 $0x28, v60;
	v48 =	vadd.s32 v31, v48;
	v49 =	vand.u32 $0xFFFFFFF8, v35;
	v50 =	vld.idx.msk [tilespmem:v50+s2+$0x0], $0xffff  }
0xaa: {  	v48 =	vor.u32 v6, v48;
	v49 =	vadd.s32 v31, v49;
	v46 =	vld.idx.msk [tilespmem:v46+s2+$0x0], $0xffff;
	[tilespmem:v53+s11+$0x0] =	vst.idx.msk $0xffff, v45  }
0xab: {  	s22 =	simm.s32 $0x12;
	v57 =	vand.u32 $0xFFFFFFF8, v57;
	v32 =	vand.u32 $0xFFFFFFF8, v61;
	v49 =	vor.u32 v6, v49;
	v54 =	vld.idx.msk [tilespmem:v54+s2+$0x0], $0xffff  }
0xac: {  	v61 =	vadd.s32 s22, v16;
	v60 =	vadd.s32 v21, v60;
	v42 =	vadd.s32 v12, v63;
	v51 =	vld.idx.msk [tilespmem:v51+s2+$0x0], $0xffff  }
0xad: {  	v63 =	vadd.s32 s17, v1;
	v33 =	vadd.s32 s20, v1;
	v61 =	vmul.u32 $0x28, v61;
	v47 =	vld.idx.msk [tilespmem:v47+s2+$0x0], $0xffff  }
0xae: {  	s23 =	simm.s32 $0x14;
	v62 =	vadd.s32 s15, v1;
	v55 =	vand.u32 $0xFFFFFFF8, v33;
	v35 =	vadd.s32 s30, v2  }
0xaf: {  	v56 =	vand.u32 $0xFFFFFFF8, v62;
	v62 =	vadd.s32 s23, v16;
	v48 =	vld.idx.msk [tilespmem:v48+s2+$0x0], $0xffff;
	v46 =	vshll.u32 v46, $0x4  }
0xb0: {  	s25 =	simm.s32 $0x16;
	v61 =	vadd.s32 v21, v61;
	v49 =	vld.idx.msk [tilespmem:v49+s2+$0x0], $0xffff;
	v46 =	vadd.s32 v11, v46;
	v54 =	vshll.u32 v54, $0x4  }
0xb1: {  	v30 =	vadd.s32 s25, v16;
	v50 =	vshll.u32 v50, $0x4;
	v54 =	vadd.s32 v13, v54  }
0xb2: {  	v51 =	vshll.u32 v51, $0x4;
	v50 =	vadd.s32 v11, v50;
	v47 =	vshll.u32 v47, $0x4  }
0xb3: {  	v47 =	vadd.s32 v11, v47;
	v45 =	vand.u32 $0xFFFFFFF8, v63;
	v63 =	vadd.s32 s14, v17  }
0xb4: {  	v52 =	vld.idx.msk [tilespmem:v52+s2+$0x0], $0xffff;
	v51 =	vadd.s32 v11, v51;
	v48 =	vshll.u32 v48, $0x4;
	v63 =	vmul.u32 $0x28, v63  }
0xb5: {  	s26 =	simm.s32 $0x18;
	v48 =	vadd.s32 v11, v48;
	v49 =	vshll.u32 v49, $0x4;
	v53 =	vadd.s32 v31, v32;
	v46 =	vld.idx.msk [tilespmem:v46+s9+$0x0], $0xffff  }
0xb6: {  	s28 =	simm.s32 $0x1A;
	v32 =	vmul.u32 $0x28, v30;
	v30 =	vadd.s32 s26, v16;
	v63 =	vadd.s32 v22, v63;
	v54 =	vld.idx.msk [tilespmem:v54+s9+$0x0], $0xffff  }
0xb7: {  	v49 =	vadd.s32 v11, v49;
	v50 =	vld.idx.msk [tilespmem:v50+s9+$0x0], $0xffff;
	v33 =	vmul.u32 $0x28, v30;
	v30 =	vadd.s32 s28, v16  }
0xb8: {  	v56 =	vadd.s32 v31, v56;
	v47 =	vld.idx.msk [tilespmem:v47+s9+$0x0], $0xffff;
	v53 =	vor.u32 v7, v53;
	v30 =	vmul.u32 $0x28, v30  }
0xb9: {  	v62 =	vmul.u32 $0x28, v62;
	v56 =	vor.u32 v7, v56;
	v52 =	vshll.u32 v52, $0x4;
	v51 =	vld.idx.msk [tilespmem:v51+s9+$0x0], $0xffff  }
0xba: {  	v48 =	vld.idx.msk [tilespmem:v48+s9+$0x0], $0xffff;
	v45 =	vadd.s32 v31, v45;
	v30 =	vadd.s32 v21, v30;
	[tilespmem:v60+s11+$0x0] =	vst.idx.msk $0xffff, v46  }
0xbb: {  	v45 =	vor.u32 v7, v45;
	v46 =	vadd.s32 v11, v52;
	[tilespmem:v63+s11+$0x0] =	vst.idx.msk $0xffff, v54;
	v63 =	vand.u32 $0xFFFFFFF8, v35  }
0xbc: {  	v49 =	vld.idx.msk [tilespmem:v49+s9+$0x0], $0xffff;
	v52 =	vadd.s32 v21, v62;
	v62 =	vadd.s32 v31, v57;
	v57 =	vadd.s32 v31, v63  }
0xbd: {  	v32 =	vadd.s32 v21, v32;
	[tilespmem:v61+s11+$0x0] =	vst.idx.msk $0xffff, v47;
	v53 =	vld.idx.msk [tilespmem:v53+s2+$0x0], $0xffff;
	v57 =	vor.u32 v8, v57  }
0xbe: {  	s31 =	simm.s32 $0x1C;
	v59 =	vadd.s32 v31, v59;
	v33 =	vadd.s32 v21, v33;
	v56 =	vld.idx.msk [tilespmem:v56+s2+$0x0], $0xffff;
	v54 =	vor.u32 v7, v62  }
0xbf: {  	v34 =	vadd.s32 s31, v16;
	v59 =	vor.u32 v7, v59;
	v55 =	vadd.s32 v31, v55;
	[tilespmem:v30+s11+$0x0] =	vst.idx.msk $0xffff, v51  }
0xc0: {  	v55 =	vor.u32 v7, v55;
	v47 =	vmul.u32 $0x28, v34;
	v34 =	vadd.s32 s22, v17;
	v45 =	vld.idx.msk [tilespmem:v45+s2+$0x0], $0xffff  }
0xc1: {  	v61 =	vmul.u32 $0x28, v34;
	v34 =	vadd.s32 s28, v17;
	[tilespmem:v52+s11+$0x0] =	vst.idx.msk $0xffff, v48;
	v52 =	vadd.s32 s25, v17  }
0xc2: {  	[tilespmem:v32+s11+$0x0] =	vst.idx.msk $0xffff, v49;
	v47 =	vadd.s32 v21, v47;
	v49 =	vmul.u32 $0x28, v52;
	v53 =	vshll.u32 v53, $0x4;
	v57 =	vld.idx.msk [tilespmem:v57+s2+$0x0], $0xffff  }
0xc3: {  	[tilespmem:v33+s11+$0x0] =	vst.idx.msk $0xffff, v50;
	v30 =	vadd.s32 s30, v4;
	v50 =	vadd.s32 v13, v53;
	v53 =	vshll.u32 v56, $0x4;
	v32 =	vld.idx.msk [tilespmem:v54+s2+$0x0], $0xffff  }
0xc4: {  	v58 =	vld.idx.msk [tilespmem:v58+s2+$0x0], $0xffff;
	v30 =	vand.u32 $0xFFFFFFF8, v30;
	v51 =	vadd.s32 v13, v53;
	v49 =	vadd.s32 v22, v49  }
0xc5: {  	v45 =	vshll.u32 v45, $0x4;
	v35 =	vadd.s32 s21, v17;
	v62 =	vadd.s32 s26, v17  }
0xc6: {  	v46 =	vld.idx.msk [tilespmem:v46+s9+$0x0], $0xffff;
	v52 =	vmul.u32 $0x28, v62;
	v62 =	vadd.s32 s15, v2;
	v63 =	vadd.s32 s16, v2  }
0xc7: {  	v54 =	vmul.u32 $0x28, v34;
	v34 =	vadd.s32 s24, v2;
	v57 =	vshll.u32 v57, $0x4  }
0xc8: {  	v33 =	vand.u32 $0xFFFFFFF8, v34;
	v32 =	vshll.u32 v32, $0x4;
	v53 =	vadd.s32 v14, v57  }
0xc9: {  	v34 =	vadd.s32 v13, v32;
	v32 =	vshll.u32 v58, $0x4;
	v58 =	vand.u32 $0xFFFFFFF8, v63  }
0xca: {  	v56 =	vld.idx.msk [tilespmem:v59+s2+$0x0], $0xffff;
	v63 =	vadd.s32 s18, v2;
	v57 =	vand.u32 $0xFFFFFFF8, v62;
	v62 =	vadd.s32 s14, v18  }
0xcb: {  	[tilespmem:v47+s11+$0x0] =	vst.idx.msk $0xffff, v46;
	v46 =	vadd.s32 v13, v32;
	v32 =	vadd.s32 s19, v2;
	v47 =	vmul.u32 $0x28, v62  }
0xcc: {  	v59 =	vand.u32 $0xFFFFFFF8, v63;
	v62 =	vand.u32 $0xFFFFFFF8, v32;
	v32 =	vadd.s32 s17, v2  }
0xcd: {  	v63 =	vand.u32 $0xFFFFFFF8, v32;
	v32 =	vadd.s32 v31, v30;
	v47 =	vadd.s32 v24, v47;
	v53 =	vld.idx.msk [tilespmem:v53+s9+$0x0], $0xffff  }
0xce: {  	v55 =	vld.idx.msk [tilespmem:v55+s2+$0x0], $0xffff;
	v60 =	vmul.u32 $0x28, v35;
	v35 =	vadd.s32 s23, v17;
	v32 =	vor.u32 v9, v32  }
0xcf: {  	v56 =	vshll.u32 v56, $0x4;
	v48 =	vmul.u32 $0x28, v35;
	v35 =	vadd.s32 s31, v17  }
0xd0: {  	v45 =	vadd.s32 v13, v45;
	v50 =	vld.idx.msk [tilespmem:v50+s9+$0x0], $0xffff;
	v56 =	vadd.s32 v13, v56;
	v35 =	vmul.u32 $0x28, v35  }
0xd1: {  	v51 =	vld.idx.msk [tilespmem:v51+s9+$0x0], $0xffff;
	v60 =	vadd.s32 v22, v60;
	v52 =	vadd.s32 v22, v52;
	v33 =	vadd.s32 v31, v33  }
0xd2: {  	v48 =	vadd.s32 v22, v48;
	v33 =	vor.u32 v8, v33;
	v34 =	vld.idx.msk [tilespmem:v34+s9+$0x0], $0xffff;
	[tilespmem:v47+s11+$0x0] =	vst.idx.msk $0xffff, v53  }
0xd3: {  	v55 =	vshll.u32 v55, $0x4;
	v47 =	vadd.s32 v22, v61;
	v53 =	vadd.s32 v31, v57;
	v32 =	vld.idx.msk [tilespmem:v32+s2+$0x0], $0xffff  }
0xd4: {  	v55 =	vadd.s32 v13, v55;
	v46 =	vld.idx.msk [tilespmem:v46+s9+$0x0], $0xffff;
	v57 =	vadd.s32 v31, v58;
	v53 =	vor.u32 v8, v53  }
0xd5: {  	v56 =	vld.idx.msk [tilespmem:v56+s9+$0x0], $0xffff;
	v54 =	vadd.s32 v22, v54;
	v58 =	vadd.s32 v31, v59;
	v57 =	vor.u32 v8, v57  }
0xd6: {  	v45 =	vld.idx.msk [tilespmem:v45+s9+$0x0], $0xffff;
	[tilespmem:v60+s11+$0x0] =	vst.idx.msk $0xffff, v50;
	v59 =	vadd.s32 v31, v62;
	v58 =	vor.u32 v8, v58  }
0xd7: {  	v33 =	vld.idx.msk [tilespmem:v33+s2+$0x0], $0xffff;
	[tilespmem:v48+s11+$0x0] =	vst.idx.msk $0xffff, v34;
	v61 =	vadd.s32 v31, v63;
	v59 =	vor.u32 v8, v59  }
0xd8: {  	v35 =	vadd.s32 v22, v35;
	v50 =	vor.u32 v8, v61;
	[tilespmem:v47+s11+$0x0] =	vst.idx.msk $0xffff, v51;
	v32 =	vshll.u32 v32, $0x4  }
0xd9: {  	[tilespmem:v49+s11+$0x0] =	vst.idx.msk $0xffff, v46;
	v63 =	vadd.s32 s25, v18;
	v61 =	vadd.s32 s22, v18;
	v49 =	vld.idx.msk [tilespmem:v53+s2+$0x0], $0xffff;
	v32 =	vadd.s32 v15, v32  }
0xda: {  	[tilespmem:v52+s11+$0x0] =	vst.idx.msk $0xffff, v56;
	v47 =	vmul.u32 $0x28, v61;
	v61 =	vmul.u32 $0x28, v63;
	v63 =	vadd.s32 s28, v18;
	v52 =	vld.idx.msk [tilespmem:v57+s2+$0x0], $0xffff  }
0xdb: {  	v30 =	vadd.s32 s20, v2;
	v48 =	vmul.u32 $0x28, v63;
	v57 =	vld.idx.msk [tilespmem:v58+s2+$0x0], $0xffff;
	v63 =	vadd.s32 s14, v19  }
0xdc: {  	[tilespmem:v54+s11+$0x0] =	vst.idx.msk $0xffff, v45;
	v30 =	vand.u32 $0xFFFFFFF8, v30;
	v33 =	vshll.u32 v33, $0x4;
	v45 =	vld.idx.msk [tilespmem:v59+s2+$0x0], $0xffff;
	v59 =	vmul.u32 $0x28, v63  }
0xdd: {  	v30 =	vadd.s32 v31, v30;
	v33 =	vadd.s32 v14, v33;
	v62 =	vadd.s32 s21, v18;
	v50 =	vld.idx.msk [tilespmem:v50+s2+$0x0], $0xffff  }
0xde: {  	v60 =	vmul.u32 $0x28, v62;
	v62 =	vadd.s32 s23, v18;
	v59 =	vadd.s32 v25, v59;
	v32 =	vld.idx.msk [tilespmem:v32+s9+$0x0], $0xffff  }
0xdf: {  	v30 =	vor.u32 v8, v30;
	v34 =	vld.idx.msk [tilespmem:v55+s9+$0x0], $0xffff;
	v51 =	vmul.u32 $0x28, v62;
	v62 =	vadd.s32 s26, v18  }
0xe0: {  	v46 =	vmul.u32 $0x28, v62;
	v62 =	vadd.s32 s15, v4;
	v49 =	vshll.u32 v49, $0x4  }
0xe1: {  	v58 =	vadd.s32 s16, v4;
	v52 =	vshll.u32 v52, $0x4;
	v49 =	vadd.s32 v14, v49  }
0xe2: {  	v33 =	vld.idx.msk [tilespmem:v33+s9+$0x0], $0xffff;
	v56 =	vand.u32 $0xFFFFFFF8, v62;
	v57 =	vshll.u32 v57, $0x4;
	v52 =	vadd.s32 v14, v52  }
0xe3: {  	[tilespmem:v59+s11+$0x0] =	vst.idx.msk $0xffff, v32;
	v32 =	vld.idx.msk [tilespmem:v37+s9+$0x0], $0xffff;
	v37 =	vshll.u32 v45, $0x4;
	v59 =	vshll.u32 v50, $0x4;
	v50 =	vadd.s32 v14, v57  }
0xe4: {  	[tilespmem:v35+s11+$0x0] =	vst.idx.msk $0xffff, v34;
	v62 =	vadd.s32 s18, v4;
	v57 =	vadd.s32 v24, v60;
	v37 =	vadd.s32 v14, v37  }
0xe5: {  	v30 =	vld.idx.msk [tilespmem:v30+s2+$0x0], $0xffff;
	v54 =	vand.u32 $0xFFFFFFF8, v58;
	v63 =	vadd.s32 s17, v4;
	v45 =	vadd.s32 v14, v59  }
0xe6: {  	v47 =	vadd.s32 v24, v47;
	v35 =	vand.u32 $0xFFFFFFF8, v63;
	v63 =	vadd.s32 s30, v5;
	v49 =	vld.idx.msk [tilespmem:v49+s9+$0x0], $0xffff  }
0xe7: {  	v51 =	vadd.s32 v24, v51;
	v58 =	vand.u32 $0xFFFFFFF8, v62;
	v63 =	vand.u32 $0xFFFFFFF8, v63;
	v52 =	vld.idx.msk [tilespmem:v52+s9+$0x0], $0xffff  }
0xe8: {  	v46 =	vadd.s32 v24, v46;
	v63 =	vadd.s32 v31, v63;
	v59 =	vadd.s32 v24, v61;
	v50 =	vld.idx.msk [tilespmem:v50+s9+$0x0], $0xffff  }
0xe9: {  	v58 =	vadd.s32 v31, v58;
	v63 =	vor.u32 v10, v63;
	[tilespmem:v57+s11+$0x0] =	vst.idx.msk $0xffff, v33;
	v33 =	vld.idx.msk [tilespmem:v37+s9+$0x0], $0xffff  }
0xea: {  	v48 =	vadd.s32 v24, v48;
	v58 =	vor.u32 v9, v58;
	v45 =	vld.idx.msk [tilespmem:v45+s9+$0x0], $0xffff  }
0xeb: {  	[tilespmem:v47+s11+$0x0] =	vst.idx.msk $0xffff, v49  }
0xec: {  	v30 =	vshll.u32 v30, $0x4;
	[tilespmem:v51+s11+$0x0] =	vst.idx.msk $0xffff, v52  }
0xed: {  	v56 =	vadd.s32 v31, v56;
	v30 =	vadd.s32 v14, v30;
	[tilespmem:v59+s11+$0x0] =	vst.idx.msk $0xffff, v50  }
0xee: {  	v55 =	vadd.s32 s31, v18;
	v53 =	vadd.s32 s24, v4;
	v56 =	vor.u32 v9, v56;
	v60 =	vld.idx.msk [tilespmem:v63+s2+$0x0], $0xffff;
	[tilespmem:v46+s11+$0x0] =	vst.idx.msk $0xffff, v33  }
0xef: {  	v55 =	vmul.u32 $0x28, v55;
	v53 =	vand.u32 $0xFFFFFFF8, v53;
	v63 =	vadd.s32 s24, v5;
	v33 =	vld.idx.msk [tilespmem:v58+s2+$0x0], $0xffff;
	[tilespmem:v48+s11+$0x0] =	vst.idx.msk $0xffff, v45  }
0xf0: {  	v53 =	vadd.s32 v31, v53;
	v58 =	vand.u32 $0xFFFFFFF8, v63;
	v63 =	vld [tilespmem:$0x1FFB0]  }
0xf1: {  	v55 =	vadd.s32 v24, v55;
	v54 =	vadd.s32 v31, v54;
	v53 =	vor.u32 v9, v53  }
0xf2: {  	v62 =	vadd.s32 s19, v4;
	v35 =	vadd.s32 v31, v35;
	v54 =	vor.u32 v9, v54;
	v30 =	vld.idx.msk [tilespmem:v30+s9+$0x0], $0xffff  }
0xf3: {  	v34 =	vand.u32 $0xFFFFFFF8, v62;
	v62 =	vadd.s32 s20, v4;
	v35 =	vor.u32 v9, v35;
	v56 =	vld.idx.msk [tilespmem:v56+s2+$0x0], $0xffff  }
0xf4: {  	v62 =	vand.u32 $0xFFFFFFF8, v62  }
0xf5: {  	v61 =	vadd.s32 v31, v62;
	v62 =	vadd.s32 s26, v19  }
0xf6: {  	v51 =	vmul.u32 $0x28, v62;
	v62 =	vadd.s32 s14, v20;
	v53 =	vld.idx.msk [tilespmem:v53+s2+$0x0], $0xffff  }
0xf7: {  	v50 =	vld.idx.msk [tilespmem:v54+s2+$0x0], $0xffff;
	v54 =	vmul.u32 $0x28, v62;
	v62 =	vadd.s32 s31, v19;
	[tilespmem:v55+s11+$0x0] =	vst.idx.msk $0xffff, v30  }
0xf8: {  	v46 =	vmul.u32 $0x28, v62;
	v62 =	vshll.u32 v56, $0x4;
	[tilespmem:v63+s11+$0x0] =	vst.idx.msk $0xffff, v32;
	v32 =	vld.idx.msk [tilespmem:v35+s2+$0x0], $0xffff  }
0xf9: {  	v35 =	vadd.s32 v15, v62;
	v62 =	vld [tilespmem:$0x1FFC0];
	_ =	sdelay $0x1  }
0xfa: {  	v34 =	vadd.s32 v31, v34  }
0xfb: {  	v41 =	vld.idx.msk [tilespmem:v41+s9+$0x0], $0xffff;
	v34 =	vor.u32 v9, v34;
	v49 =	vadd.s32 s23, v19;
	v57 =	vshll.u32 v60, $0x4  }
0xfc: {  	v37 =	vor.u32 v9, v61;
	v57 =	vadd.s32 v12, v57;
	v53 =	vshll.u32 v53, $0x4  }
0xfd: {  	v44 =	vld.idx.msk [tilespmem:v44+s9+$0x0], $0xffff;
	v60 =	vadd.s32 s21, v19;
	v61 =	vadd.s32 s22, v19;
	v53 =	vadd.s32 v15, v53  }
0xfe: {  	v43 =	vld.idx.msk [tilespmem:v43+s9+$0x0], $0xffff;
	v49 =	vmul.u32 $0x28, v49;
	v60 =	vmul.u32 $0x28, v60;
	v47 =	vmul.u32 $0x28, v61  }
0xff: {  	v42 =	vld.idx.msk [tilespmem:v42+s9+$0x0], $0xffff;
	v61 =	vadd.s32 s25, v19;
	v48 =	vadd.s32 s15, v5;
	v50 =	vshll.u32 v50, $0x4  }
0x100: {  	v61 =	vmul.u32 $0x28, v61;
	v34 =	vld.idx.msk [tilespmem:v34+s2+$0x0], $0xffff;
	[tilespmem:v62+s11+$0x0] =	vst.idx.msk $0xffff, v41;
	v41 =	vand.u32 $0xFFFFFFF8, v48;
	v48 =	vadd.s32 v15, v50  }
0x101: {  	v59 =	vadd.s32 s19, v5;
	v56 =	vadd.s32 s16, v5;
	v45 =	vadd.s32 s18, v5;
	v30 =	vld.idx.msk [tilespmem:v57+s9+$0x0], $0xffff  }
0x102: {  	v54 =	vadd.s32 v23, v54;
	[tilespmem:v39+s11+$0x0] =	vst.idx.msk $0xffff, v44;
	v39 =	vand.u32 $0xFFFFFFF8, v56;
	v56 =	vand.u32 $0xFFFFFFF8, v45;
	v45 =	vld.idx.msk [tilespmem:v53+s9+$0x0], $0xffff  }
0x103: {  	v59 =	vand.u32 $0xFFFFFFF8, v59;
	v55 =	vadd.s32 s17, v5;
	v63 =	vadd.s32 v25, v47;
	[tilespmem:v40+s11+$0x0] =	vst.idx.msk $0xffff, v43;
	v35 =	vld.idx.msk [tilespmem:v35+s9+$0x0], $0xffff  }
0x104: {  	v59 =	vadd.s32 v31, v59;
	v33 =	vshll.u32 v33, $0x4;
	v44 =	vld [tilespmem:$0x1FFD0];
	[tilespmem:v38+s11+$0x0] =	vst.idx.msk $0xffff, v42;
	v42 =	vadd.s32 v25, v60  }
0x105: {  	v33 =	vadd.s32 v15, v33;
	v34 =	vshll.u32 v34, $0x4;
	v47 =	vadd.s32 v25, v49;
	v48 =	vld.idx.msk [tilespmem:v48+s9+$0x0], $0xffff  }
0x106: {  	v37 =	vld.idx.msk [tilespmem:v37+s2+$0x0], $0xffff;
	v34 =	vadd.s32 v15, v34;
	v39 =	vadd.s32 v31, v39;
	v32 =	vshll.u32 v32, $0x4  }
0x107: {  	v57 =	vadd.s32 s20, v5;
	v40 =	vadd.s32 v31, v56;
	v32 =	vadd.s32 v15, v32;
	[tilespmem:v54+s11+$0x0] =	vst.idx.msk $0xffff, v30  }
0x108: {  	v50 =	vand.u32 $0xFFFFFFF8, v57;
	v62 =	vadd.s32 v31, v58;
	v57 =	vadd.s32 v25, v61;
	[tilespmem:v63+s11+$0x0] =	vst.idx.msk $0xffff, v35  }
0x109: {  	v38 =	vand.u32 $0xFFFFFFF8, v55;
	v41 =	vadd.s32 v31, v41;
	v61 =	vor.u32 v10, v62;
	[tilespmem:v42+s11+$0x0] =	vst.idx.msk $0xffff, v45  }
0x10a: {  	v58 =	vld.idx.msk [tilespmem:v33+s9+$0x0], $0xffff;
	v38 =	vadd.s32 v31, v38;
	v31 =	vadd.s32 v31, v50;
	[tilespmem:v47+s11+$0x0] =	vst.idx.msk $0xffff, v48  }
0x10b: {  	v52 =	vadd.s32 s28, v19;
	v30 =	vshll.u32 v37, $0x4;
	v50 =	vor.u32 v10, v31;
	v31 =	vld [tilespmem:$0x1FFE0]  }
0x10c: {  	v52 =	vmul.u32 $0x28, v52;
	v60 =	vld.idx.msk [tilespmem:v34+s9+$0x0], $0xffff;
	v30 =	vadd.s32 v15, v30  }
0x10d: {  	v51 =	vadd.s32 v25, v51;
	v44 =	vld.idx.msk [tilespmem:v44+s2+$0x0], $0xffff  }
0x10e: {  	v52 =	vadd.s32 v25, v52;
	v46 =	vadd.s32 v25, v46;
	v41 =	vor.u32 v10, v41;
	v45 =	vld.idx.msk [tilespmem:v32+s9+$0x0], $0xffff  }
0x10f: {  	v53 =	vadd.s32 s22, v20;
	v56 =	vadd.s32 s23, v20;
	v39 =	vor.u32 v10, v39;
	v47 =	vld.idx.msk [tilespmem:v61+s2+$0x0], $0xffff  }
0x110: {  	v35 =	vor.u32 v10, v40;
	v37 =	vor.u32 v10, v59;
	v34 =	vadd.s32 v12, v31;
	v31 =	vld [tilespmem:$0x1FFF0]  }
0x111: {  	v63 =	vadd.s32 s21, v20;
	v59 =	vadd.s32 s26, v20;
	v38 =	vor.u32 v10, v38;
	v30 =	vld.idx.msk [tilespmem:v30+s9+$0x0], $0xffff  }
0x112: {  	v32 =	vadd.s32 v12, v36;
	v61 =	vadd.s32 s28, v20;
	v62 =	vshll.u32 v44, $0x4  }
0x113: {  	v43 =	vld.idx.msk [tilespmem:v41+s2+$0x0], $0xffff;
	v48 =	vmul.u32 $0x28, v59;
	v33 =	vadd.s32 v12, v62;
	v62 =	vadd.s32 s31, v20;
	[tilespmem:v57+s11+$0x0] =	vst.idx.msk $0xffff, v58  }
0x114: {  	v44 =	vld.idx.msk [tilespmem:v39+s2+$0x0], $0xffff;
	v47 =	vshll.u32 v47, $0x4;
	v57 =	vmul.u32 $0x28, v63;
	v58 =	vadd.s32 s25, v20;
	[tilespmem:v51+s11+$0x0] =	vst.idx.msk $0xffff, v60  }
0x115: {  	v60 =	vmul.u32 $0x28, v53;
	[tilespmem:v52+s11+$0x0] =	vst.idx.msk $0xffff, v45;
	v63 =	vmul.u32 $0x28, v56;
	v41 =	vld.idx.msk [tilespmem:v35+s2+$0x0], $0xffff;
	v31 =	vadd.s32 v12, v31  }
0x116: {  	[tilespmem:v46+s11+$0x0] =	vst.idx.msk $0xffff, v30;
	v30 =	vmul.u32 $0x28, v61;
	v46 =	vmul.u32 $0x28, v62;
	v40 =	vmul.u32 $0x28, v58;
	v42 =	vld.idx.msk [tilespmem:v37+s2+$0x0], $0xffff  }
0x117: {  	v45 =	vld.idx.msk [tilespmem:v38+s2+$0x0], $0xffff;
	v36 =	vadd.s32 v23, v57;
	v37 =	vadd.s32 v23, v60;
	v35 =	vadd.s32 v23, v63  }
0x118: {  	s15 =	simm.s32 $0x8;
	v38 =	vadd.s32 v23, v30;
	v30 =	vld.idx.msk [tilespmem:v50+s2+$0x0], $0xffff;
	v39 =	vadd.s32 v23, v40;
	v40 =	vadd.s32 v23, v48  }
.LBB2_2:
0x119: {  	s15 =	sadd.s32 $0x8, s15;
	v47 =	vadd.s32 v12, v47;
	v43 =	vshll.u32 v43, $0x4;
	v46 =	vadd.s32 v23, v46;
	s13 =	sadd.s32 $0x40, s13;
	v48 =	vld.idx.msk [tilespmem:v34+s9+$0x0], $0xffff  }
0x11a: {  	v44 =	vshll.u32 v44, $0x4;
	s16 =	sshrl.u32 s15, $0x4;
	s17 =	sadd.s32 $0xFFFFFFC8, s13;
	s31 =	sand.u32 $0x78, s13;
	v43 =	vadd.s32 v12, v43;
	v49 =	vld.idx.msk [tilespmem:v31+s9+$0x0], $0xffff  }
0x11b: {  	s18 =	sadd.s32 $0xFFFFFFD8, s13;
	s19 =	sadd.s32 $0xFFFFFFE0, s13;
	v31 =	vshll.u32 v41, $0x4;
	v34 =	vadd.s32 s16, v3;
	s16 =	sadd.s32 $0xFFFFFFD0, s13;
	v50 =	vadd.s32 s31, v0;
	v41 =	vld.idx.msk [tilespmem:v32+s9+$0x0], $0xffff  }
0x11c: {  	s20 =	sadd.s32 $0xFFFFFFE8, s13;
	s21 =	sadd.s32 $0xFFFFFFF0, s13;
	s22 =	sadd.s32 $0xFFFFFFF8, s13;
	v32 =	vshll.u32 v42, $0x4;
	v34 =	vshll.u32 v34, $0x7;
	v50 =	vand.u32 $0xFFFFFFF8, v50;
	v42 =	vld.idx.msk [tilespmem:v33+s9+$0x0], $0xffff  }
0x11d: {  	v44 =	vadd.s32 v12, v44;
	s30 =	sand.u32 $0x40, s17;
	s26 =	sand.u32 $0x50, s18;
	s28 =	sand.u32 $0x48, s16;
	v33 =	vshll.u32 v45, $0x4;
	v50 =	vadd.s32 v34, v50  }
0x11e: {  	s29 =	sand.u32 $0x58, s19;
	s24 =	sand.u32 $0x60, s20;
	s21 =	sand.u32 $0x68, s21;
	v45 =	vadd.s32 s30, v0;
	v51 =	vadd.s32 s28, v0;
	v50 =	vor.u32 v6, v50;
	v47 =	vld.idx.msk [tilespmem:v47+s9+$0x0], $0xffff  }
0x11f: {  	p0 =	slt.u32 s15, $0xF8;
	s22 =	sand.u32 $0x70, s22;
	v52 =	vadd.s32 s26, v0;
	v53 =	vadd.s32 s29, v0;
	v54 =	vadd.s32 s24, v0;
	v43 =	vld.idx.msk [tilespmem:v43+s9+$0x0], $0xffff  }
0x120: {  	v55 =	vadd.s32 s21, v0;
	v56 =	vadd.s32 s22, v0;
	v45 =	vand.u32 $0xFFFFFFF8, v45;
	[tilespmem:v29+s11+$0x0] =	vst.idx.msk $0xffff, v48;
	v29 =	vmovc v39  }
0x121: {  	v39 =	vand.u32 $0xFFFFFFF8, v51;
	v48 =	vand.u32 $0xFFFFFFF8, v52;
	v51 =	vand.u32 $0xFFFFFFF8, v53;
	[tilespmem:v27+s11+$0x0] =	vst.idx.msk $0xffff, v49;
	v27 =	vmovc v40  }
0x122: {  	v52 =	vand.u32 $0xFFFFFFF8, v56;
	v40 =	vand.u32 $0xFFFFFFF8, v54;
	v49 =	vand.u32 $0xFFFFFFF8, v55;
	v44 =	vld.idx.msk [tilespmem:v44+s9+$0x0], $0xffff;
	[tilespmem:v28+s11+$0x0] =	vst.idx.msk $0xffff, v41;
	v28 =	vmovc v38  }
0x123: {  	v39 =	vadd.s32 v34, v39;
	v38 =	vadd.s32 v34, v45;
	v41 =	vadd.s32 v34, v48;
	v45 =	vld.idx.msk [tilespmem:v50+s2+$0x0], $0xffff  }
0x124: {  	v48 =	vadd.s32 v34, v51;
	v40 =	vadd.s32 v34, v40;
	v49 =	vadd.s32 v34, v49  }
0x125: {  	v39 =	vor.u32 v6, v39;
	v38 =	vor.u32 v6, v38;
	v50 =	vadd.s32 v34, v52  }
0x126: {  	v41 =	vor.u32 v6, v41;
	v48 =	vor.u32 v6, v48;
	v40 =	vor.u32 v6, v40  }
0x127: {  	v51 =	vadd.s32 s30, v1;
	v49 =	vor.u32 v6, v49;
	v50 =	vor.u32 v6, v50;
	[tilespmem:v36+s11+$0x0] =	vst.idx.msk $0xffff, v47  }
0x128: {  	v52 =	vadd.s32 s29, v1;
	v36 =	vadd.s32 s28, v1;
	v47 =	vadd.s32 s26, v1;
	[tilespmem:v37+s11+$0x0] =	vst.idx.msk $0xffff, v43  }
0x129: {  	v37 =	vadd.s32 s24, v1;
	v43 =	vadd.s32 s21, v1;
	v45 =	vshll.u32 v45, $0x4;
	[tilespmem:v35+s11+$0x0] =	vst.idx.msk $0xffff, v44  }
0x12a: {  	v44 =	vadd.s32 s22, v1;
	v45 =	vadd.s32 v11, v45;
	v35 =	vld.idx.msk [tilespmem:v38+s2+$0x0], $0xffff;
	v38 =	vand.u32 $0xFFFFFFF8, v51;
	[tilespmem:v26+s11+$0x0] =	vst.idx.msk $0xffff, v42  }
0x12b: {  	v36 =	vand.u32 $0xFFFFFFF8, v36;
	v42 =	vand.u32 $0xFFFFFFF8, v47;
	v47 =	vand.u32 $0xFFFFFFF8, v52;
	v26 =	vmovc v46;
	v39 =	vld.idx.msk [tilespmem:v39+s2+$0x0], $0xffff  }
0x12c: {  	s14 =	sadd.s32 $0x10, s14;
	v37 =	vand.u32 $0xFFFFFFF8, v37;
	v43 =	vand.u32 $0xFFFFFFF8, v43;
	v44 =	vand.u32 $0xFFFFFFF8, v44;
	v41 =	vld.idx.msk [tilespmem:v41+s2+$0x0], $0xffff  }
0x12d: {  	s25 =	sadd.s32 $0xFFFFFFF2, s14;
	s23 =	sadd.s32 $0xFFFFFFF4, s14;
	s19 =	sadd.s32 $0xFFFFFFF6, s14;
	v36 =	vadd.s32 v34, v36;
	v38 =	vadd.s32 v34, v38;
	v46 =	vld.idx.msk [tilespmem:v48+s2+$0x0], $0xffff;
	v48 =	vadd.s32 s14, v16  }
0x12e: {  	s17 =	sadd.s32 $0xFFFFFFF8, s14;
	s18 =	sadd.s32 $0xFFFFFFFA, s14;
	s16 =	sadd.s32 $0xFFFFFFFC, s14;
	v51 =	vadd.s32 s25, v16;
	v52 =	vadd.s32 s31, v1;
	v40 =	vld.idx.msk [tilespmem:v40+s2+$0x0], $0xffff;
	v48 =	vmul.u32 $0x28, v48  }
0x12f: {  	s20 =	sadd.s32 $0xFFFFFFFE, s14;
	v53 =	vadd.s32 s23, v16;
	v54 =	vadd.s32 s19, v16;
	v52 =	vand.u32 $0xFFFFFFF8, v52;
	v45 =	vld.idx.msk [tilespmem:v45+s9+$0x0], $0xffff  }
0x130: {  	v52 =	vadd.s32 v34, v52;
	v35 =	vshll.u32 v35, $0x4;
	v49 =	vld.idx.msk [tilespmem:v49+s2+$0x0], $0xffff;
	v48 =	vadd.s32 v21, v48  }
0x131: {  	v52 =	vor.u32 v7, v52;
	v35 =	vadd.s32 v11, v35;
	v39 =	vshll.u32 v39, $0x4;
	v50 =	vld.idx.msk [tilespmem:v50+s2+$0x0], $0xffff  }
0x132: {  	v55 =	vadd.s32 s17, v16;
	v39 =	vadd.s32 v11, v39;
	v41 =	vshll.u32 v41, $0x4  }
0x133: {  	v56 =	vadd.s32 s18, v16;
	v41 =	vadd.s32 v11, v41;
	v46 =	vshll.u32 v46, $0x4  }
0x134: {  	v57 =	vadd.s32 s16, v16;
	v46 =	vadd.s32 v11, v46;
	v40 =	vshll.u32 v40, $0x4  }
0x135: {  	v58 =	vadd.s32 s20, v16;
	v51 =	vmul.u32 $0x28, v51;
	v40 =	vadd.s32 v11, v40;
	[tilespmem:v48+s11+$0x0] =	vst.idx.msk $0xffff, v45  }
0x136: {  	v45 =	vmul.u32 $0x28, v53;
	v48 =	vmul.u32 $0x28, v54;
	v49 =	vshll.u32 v49, $0x4;
	v52 =	vld.idx.msk [tilespmem:v52+s2+$0x0], $0xffff  }
0x137: {  	v53 =	vmul.u32 $0x28, v55;
	v49 =	vadd.s32 v11, v49;
	v50 =	vshll.u32 v50, $0x4;
	v35 =	vld.idx.msk [tilespmem:v35+s9+$0x0], $0xffff  }
0x138: {  	v54 =	vmul.u32 $0x28, v56;
	v55 =	vmul.u32 $0x28, v57;
	v50 =	vadd.s32 v11, v50;
	v39 =	vld.idx.msk [tilespmem:v39+s9+$0x0], $0xffff  }
0x139: {  	v51 =	vadd.s32 v21, v51;
	v56 =	vmul.u32 $0x28, v58;
	v45 =	vadd.s32 v21, v45;
	v41 =	vld.idx.msk [tilespmem:v41+s9+$0x0], $0xffff  }
0x13a: {  	v42 =	vadd.s32 v34, v42;
	v48 =	vadd.s32 v21, v48;
	v53 =	vadd.s32 v21, v53;
	v46 =	vld.idx.msk [tilespmem:v46+s9+$0x0], $0xffff  }
0x13b: {  	v37 =	vadd.s32 v34, v37;
	v47 =	vadd.s32 v34, v47;
	v54 =	vadd.s32 v21, v54;
	v40 =	vld.idx.msk [tilespmem:v40+s9+$0x0], $0xffff  }
0x13c: {  	v43 =	vadd.s32 v34, v43;
	v55 =	vadd.s32 v21, v55;
	v52 =	vshll.u32 v52, $0x4;
	v49 =	vld.idx.msk [tilespmem:v49+s9+$0x0], $0xffff  }
0x13d: {  	v44 =	vadd.s32 v34, v44;
	v56 =	vadd.s32 v21, v56;
	v52 =	vadd.s32 v13, v52;
	v50 =	vld.idx.msk [tilespmem:v50+s9+$0x0], $0xffff  }
0x13e: {  	v36 =	vor.u32 v7, v36;
	[tilespmem:v51+s11+$0x0] =	vst.idx.msk $0xffff, v35;
	v35 =	vor.u32 v7, v38;
	v38 =	vadd.s32 s25, v17  }
0x13f: {  	v42 =	vor.u32 v7, v42;
	[tilespmem:v45+s11+$0x0] =	vst.idx.msk $0xffff, v39;
	v39 =	vadd.s32 s23, v17;
	v45 =	vor.u32 v7, v47  }
0x140: {  	v37 =	vor.u32 v7, v37;
	[tilespmem:v48+s11+$0x0] =	vst.idx.msk $0xffff, v41;
	v41 =	vor.u32 v7, v43;
	v43 =	vadd.s32 s14, v17  }
0x141: {  	v44 =	vor.u32 v7, v44;
	[tilespmem:v53+s11+$0x0] =	vst.idx.msk $0xffff, v46;
	v43 =	vmul.u32 $0x28, v43;
	v46 =	vadd.s32 s31, v2  }
0x142: {  	v47 =	vadd.s32 s19, v17;
	v48 =	vadd.s32 s17, v17;
	[tilespmem:v54+s11+$0x0] =	vst.idx.msk $0xffff, v40;
	v40 =	vld.idx.msk [tilespmem:v52+s9+$0x0], $0xffff;
	v46 =	vand.u32 $0xFFFFFFF8, v46  }
0x143: {  	v35 =	vld.idx.msk [tilespmem:v35+s2+$0x0], $0xffff;
	[tilespmem:v55+s11+$0x0] =	vst.idx.msk $0xffff, v49;
	v43 =	vadd.s32 v22, v43;
	v46 =	vadd.s32 v34, v46  }
0x144: {  	v51 =	vadd.s32 s16, v17;
	v49 =	vadd.s32 s18, v17;
	v36 =	vld.idx.msk [tilespmem:v36+s2+$0x0], $0xffff;
	[tilespmem:v56+s11+$0x0] =	vst.idx.msk $0xffff, v50;
	v46 =	vor.u32 v8, v46  }
0x145: {  	v38 =	vmul.u32 $0x28, v38;
	v52 =	vadd.s32 s20, v17;
	v50 =	vadd.s32 s30, v2;
	v42 =	vld.idx.msk [tilespmem:v42+s2+$0x0], $0xffff  }
0x146: {  	v39 =	vmul.u32 $0x28, v39;
	v47 =	vmul.u32 $0x28, v47;
	v53 =	vadd.s32 s28, v2;
	v45 =	vld.idx.msk [tilespmem:v45+s2+$0x0], $0xffff  }
0x147: {  	v48 =	vmul.u32 $0x28, v48;
	v54 =	vadd.s32 s26, v2;
	v55 =	vadd.s32 s29, v2;
	v37 =	vld.idx.msk [tilespmem:v37+s2+$0x0], $0xffff  }
0x148: {  	v51 =	vmul.u32 $0x28, v51;
	v49 =	vmul.u32 $0x28, v49;
	v56 =	vadd.s32 s24, v2;
	v41 =	vld.idx.msk [tilespmem:v41+s2+$0x0], $0xffff;
	[tilespmem:v43+s11+$0x0] =	vst.idx.msk $0xffff, v40  }
0x149: {  	v35 =	vshll.u32 v35, $0x4;
	v40 =	vadd.s32 s21, v2;
	v43 =	vmul.u32 $0x28, v52;
	v46 =	vld.idx.msk [tilespmem:v46+s2+$0x0], $0xffff  }
0x14a: {  	v52 =	vadd.s32 s22, v2;
	v35 =	vadd.s32 v13, v35;
	v36 =	vshll.u32 v36, $0x4;
	v44 =	vld.idx.msk [tilespmem:v44+s2+$0x0], $0xffff  }
0x14b: {  	v50 =	vand.u32 $0xFFFFFFF8, v50;
	v36 =	vadd.s32 v13, v36;
	v42 =	vshll.u32 v42, $0x4  }
0x14c: {  	v53 =	vand.u32 $0xFFFFFFF8, v53;
	v42 =	vadd.s32 v13, v42;
	v45 =	vshll.u32 v45, $0x4  }
0x14d: {  	v54 =	vand.u32 $0xFFFFFFF8, v54;
	v45 =	vadd.s32 v13, v45;
	v37 =	vshll.u32 v37, $0x4  }
0x14e: {  	v55 =	vand.u32 $0xFFFFFFF8, v55;
	v37 =	vadd.s32 v13, v37;
	v41 =	vshll.u32 v41, $0x4  }
0x14f: {  	v56 =	vand.u32 $0xFFFFFFF8, v56;
	v41 =	vadd.s32 v13, v41;
	v46 =	vshll.u32 v46, $0x4;
	v35 =	vld.idx.msk [tilespmem:v35+s9+$0x0], $0xffff  }
0x150: {  	v40 =	vand.u32 $0xFFFFFFF8, v40;
	v44 =	vshll.u32 v44, $0x4;
	v46 =	vadd.s32 v14, v46;
	v36 =	vld.idx.msk [tilespmem:v36+s9+$0x0], $0xffff  }
0x151: {  	v38 =	vadd.s32 v22, v38;
	v52 =	vand.u32 $0xFFFFFFF8, v52;
	v44 =	vadd.s32 v13, v44;
	v42 =	vld.idx.msk [tilespmem:v42+s9+$0x0], $0xffff  }
0x152: {  	v39 =	vadd.s32 v22, v39;
	v53 =	vadd.s32 v34, v53;
	v50 =	vadd.s32 v34, v50;
	v45 =	vld.idx.msk [tilespmem:v45+s9+$0x0], $0xffff  }
0x153: {  	v57 =	vadd.s32 s14, v18;
	v47 =	vadd.s32 v22, v47;
	v54 =	vadd.s32 v34, v54;
	v37 =	vld.idx.msk [tilespmem:v37+s9+$0x0], $0xffff  }
0x154: {  	v58 =	vadd.s32 s31, v4;
	v57 =	vmul.u32 $0x28, v57;
	v48 =	vadd.s32 v22, v48;
	v41 =	vld.idx.msk [tilespmem:v41+s9+$0x0], $0xffff  }
0x155: {  	v58 =	vand.u32 $0xFFFFFFF8, v58;
	v55 =	vadd.s32 v34, v55;
	v49 =	vadd.s32 v22, v49;
	v46 =	vld.idx.msk [tilespmem:v46+s9+$0x0], $0xffff  }
0x156: {  	v58 =	vadd.s32 v34, v58;
	v57 =	vadd.s32 v24, v57;
	v56 =	vadd.s32 v34, v56;
	v44 =	vld.idx.msk [tilespmem:v44+s9+$0x0], $0xffff  }
0x157: {  	v58 =	vor.u32 v9, v58;
	v51 =	vadd.s32 v22, v51;
	v40 =	vadd.s32 v34, v40  }
0x158: {  	[tilespmem:v38+s11+$0x0] =	vst.idx.msk $0xffff, v35;
	v35 =	vadd.s32 s25, v18;
	v38 =	vadd.s32 v22, v43;
	v43 =	vadd.s32 v34, v52  }
0x159: {  	v50 =	vor.u32 v8, v50;
	[tilespmem:v39+s11+$0x0] =	vst.idx.msk $0xffff, v36;
	v36 =	vor.u32 v8, v53;
	v39 =	vadd.s32 s23, v18  }
0x15a: {  	v52 =	vor.u32 v8, v55;
	[tilespmem:v47+s11+$0x0] =	vst.idx.msk $0xffff, v42;
	v42 =	vor.u32 v8, v54;
	v47 =	vadd.s32 s19, v18  }
0x15b: {  	v40 =	vor.u32 v8, v40;
	v53 =	vadd.s32 s17, v18;
	v54 =	vor.u32 v8, v56;
	[tilespmem:v57+s11+$0x0] =	vst.idx.msk $0xffff, v46  }
0x15c: {  	v43 =	vor.u32 v8, v43;
	v46 =	vadd.s32 s16, v18;
	[tilespmem:v48+s11+$0x0] =	vst.idx.msk $0xffff, v45;
	v45 =	vadd.s32 s18, v18;
	v48 =	vld.idx.msk [tilespmem:v58+s2+$0x0], $0xffff  }
0x15d: {  	v55 =	vadd.s32 s30, v4;
	v35 =	vmul.u32 $0x28, v35;
	[tilespmem:v49+s11+$0x0] =	vst.idx.msk $0xffff, v37;
	v37 =	vadd.s32 s20, v18  }
0x15e: {  	v39 =	vmul.u32 $0x28, v39;
	v47 =	vmul.u32 $0x28, v47;
	v49 =	vld.idx.msk [tilespmem:v50+s2+$0x0], $0xffff;
	v50 =	vadd.s32 s28, v4;
	[tilespmem:v51+s11+$0x0] =	vst.idx.msk $0xffff, v41  }
0x15f: {  	v41 =	vadd.s32 s26, v4;
	v51 =	vmul.u32 $0x28, v53;
	v53 =	vadd.s32 s29, v4;
	v36 =	vld.idx.msk [tilespmem:v36+s2+$0x0], $0xffff;
	[tilespmem:v38+s11+$0x0] =	vst.idx.msk $0xffff, v44  }
0x160: {  	v44 =	vadd.s32 s24, v4;
	v38 =	vld.idx.msk [tilespmem:v42+s2+$0x0], $0xffff;
	v42 =	vmul.u32 $0x28, v45;
	v45 =	vmul.u32 $0x28, v46  }
0x161: {  	v56 =	vadd.s32 s22, v4;
	v37 =	vmul.u32 $0x28, v37;
	v46 =	vld.idx.msk [tilespmem:v52+s2+$0x0], $0xffff;
	v52 =	vadd.s32 s21, v4  }
0x162: {  	v55 =	vand.u32 $0xFFFFFFF8, v55;
	v50 =	vand.u32 $0xFFFFFFF8, v50;
	v48 =	vshll.u32 v48, $0x4;
	v54 =	vld.idx.msk [tilespmem:v54+s2+$0x0], $0xffff  }
0x163: {  	v41 =	vand.u32 $0xFFFFFFF8, v41;
	v53 =	vand.u32 $0xFFFFFFF8, v53;
	v48 =	vadd.s32 v15, v48;
	v40 =	vld.idx.msk [tilespmem:v40+s2+$0x0], $0xffff  }
0x164: {  	v44 =	vand.u32 $0xFFFFFFF8, v44;
	v52 =	vand.u32 $0xFFFFFFF8, v52;
	v49 =	vshll.u32 v49, $0x4;
	v43 =	vld.idx.msk [tilespmem:v43+s2+$0x0], $0xffff  }
0x165: {  	v56 =	vand.u32 $0xFFFFFFF8, v56;
	v49 =	vadd.s32 v14, v49;
	v36 =	vshll.u32 v36, $0x4  }
0x166: {  	v57 =	vadd.s32 s14, v19;
	v36 =	vadd.s32 v14, v36;
	v38 =	vshll.u32 v38, $0x4  }
0x167: {  	v57 =	vmul.u32 $0x28, v57;
	v58 =	vadd.s32 s31, v5;
	v46 =	vshll.u32 v46, $0x4  }
0x168: {  	v58 =	vand.u32 $0xFFFFFFF8, v58;
	v38 =	vadd.s32 v14, v38;
	v54 =	vshll.u32 v54, $0x4;
	v48 =	vld.idx.msk [tilespmem:v48+s9+$0x0], $0xffff  }
0x169: {  	v57 =	vadd.s32 v25, v57;
	v58 =	vadd.s32 v34, v58;
	v40 =	vshll.u32 v40, $0x4  }
0x16a: {  	v58 =	vor.u32 v10, v58;
	v46 =	vadd.s32 v14, v46;
	v43 =	vshll.u32 v43, $0x4;
	v49 =	vld.idx.msk [tilespmem:v49+s9+$0x0], $0xffff  }
0x16b: {  	v54 =	vadd.s32 v14, v54;
	v40 =	vadd.s32 v14, v40;
	v43 =	vadd.s32 v14, v43;
	v36 =	vld.idx.msk [tilespmem:v36+s9+$0x0], $0xffff  }
0x16c: {  	v55 =	vadd.s32 v34, v55;
	v35 =	vadd.s32 v24, v35;
	v39 =	vadd.s32 v24, v39  }
0x16d: {  	v47 =	vadd.s32 v24, v47;
	v50 =	vadd.s32 v34, v50;
	v41 =	vadd.s32 v34, v41;
	v38 =	vld.idx.msk [tilespmem:v38+s9+$0x0], $0xffff  }
0x16e: {  	v59 =	vadd.s32 s25, v19;
	v51 =	vadd.s32 v24, v51;
	v53 =	vadd.s32 v34, v53;
	[tilespmem:v57+s11+$0x0] =	vst.idx.msk $0xffff, v48  }
0x16f: {  	v44 =	vadd.s32 v34, v44;
	v42 =	vadd.s32 v24, v42;
	v45 =	vadd.s32 v24, v45;
	v48 =	vld.idx.msk [tilespmem:v58+s2+$0x0], $0xffff  }
0x170: {  	v56 =	vadd.s32 v34, v56;
	v37 =	vadd.s32 v24, v37;
	v52 =	vadd.s32 v34, v52;
	v46 =	vld.idx.msk [tilespmem:v46+s9+$0x0], $0xffff  }
0x171: {  	[tilespmem:v35+s11+$0x0] =	vst.idx.msk $0xffff, v49;
	v35 =	vor.u32 v9, v55;
	v49 =	vor.u32 v9, v50;
	v50 =	vld.idx.msk [tilespmem:v54+s9+$0x0], $0xffff  }
0x172: {  	[tilespmem:v39+s11+$0x0] =	vst.idx.msk $0xffff, v36;
	v36 =	vor.u32 v9, v41;
	v39 =	vor.u32 v9, v53;
	v40 =	vld.idx.msk [tilespmem:v40+s9+$0x0], $0xffff  }
0x173: {  	v41 =	vor.u32 v9, v52;
	[tilespmem:v47+s11+$0x0] =	vst.idx.msk $0xffff, v38;
	v38 =	vor.u32 v9, v44;
	v43 =	vld.idx.msk [tilespmem:v43+s9+$0x0], $0xffff  }
0x174: {  	v52 =	vor.u32 v9, v56;
	v44 =	vadd.s32 s23, v19;
	v47 =	vadd.s32 s19, v19  }
0x175: {  	v54 =	vadd.s32 s18, v19;
	v53 =	vadd.s32 s17, v19;
	v48 =	vshll.u32 v48, $0x4  }
0x176: {  	v48 =	vadd.s32 v12, v48;
	v35 =	vld.idx.msk [tilespmem:v35+s2+$0x0], $0xffff;
	[tilespmem:v51+s11+$0x0] =	vst.idx.msk $0xffff, v46;
	v46 =	vadd.s32 s16, v19;
	v51 =	vadd.s32 s20, v19  }
0x177: {  	v55 =	vmul.u32 $0x28, v59;
	v56 =	vadd.s32 s30, v5;
	v44 =	vmul.u32 $0x28, v44;
	v49 =	vld.idx.msk [tilespmem:v49+s2+$0x0], $0xffff;
	[tilespmem:v42+s11+$0x0] =	vst.idx.msk $0xffff, v50  }
0x178: {  	v47 =	vmul.u32 $0x28, v47;
	v42 =	vadd.s32 s28, v5;
	v50 =	vadd.s32 s26, v5;
	v36 =	vld.idx.msk [tilespmem:v36+s2+$0x0], $0xffff;
	[tilespmem:v45+s11+$0x0] =	vst.idx.msk $0xffff, v40  }
0x179: {  	v40 =	vmul.u32 $0x28, v53;
	v45 =	vadd.s32 s29, v5;
	v39 =	vld.idx.msk [tilespmem:v39+s2+$0x0], $0xffff;
	[tilespmem:v37+s11+$0x0] =	vst.idx.msk $0xffff, v43;
	v37 =	vadd.s32 s14, v20  }
0x17a: {  	v53 =	vadd.s32 s24, v5;
	v43 =	vmul.u32 $0x28, v54;
	v38 =	vld.idx.msk [tilespmem:v38+s2+$0x0], $0xffff;
	v37 =	vmul.u32 $0x28, v37  }
0x17b: {  	v46 =	vmul.u32 $0x28, v46;
	v51 =	vmul.u32 $0x28, v51;
	v54 =	vadd.s32 s21, v5;
	v48 =	vld.idx.msk [tilespmem:v48+s9+$0x0], $0xffff  }
0x17c: {  	v57 =	vadd.s32 s22, v5;
	v35 =	vshll.u32 v35, $0x4;
	v41 =	vld.idx.msk [tilespmem:v41+s2+$0x0], $0xffff;
	v37 =	vadd.s32 v23, v37  }
0x17d: {  	v56 =	vand.u32 $0xFFFFFFF8, v56;
	v35 =	vadd.s32 v15, v35;
	v49 =	vshll.u32 v49, $0x4;
	v52 =	vld.idx.msk [tilespmem:v52+s2+$0x0], $0xffff  }
0x17e: {  	v42 =	vand.u32 $0xFFFFFFF8, v42;
	v49 =	vadd.s32 v15, v49;
	v36 =	vshll.u32 v36, $0x4  }
0x17f: {  	v50 =	vand.u32 $0xFFFFFFF8, v50;
	v36 =	vadd.s32 v15, v36;
	v39 =	vshll.u32 v39, $0x4  }
0x180: {  	v45 =	vand.u32 $0xFFFFFFF8, v45;
	v39 =	vadd.s32 v15, v39;
	v38 =	vshll.u32 v38, $0x4  }
0x181: {  	v53 =	vand.u32 $0xFFFFFFF8, v53;
	v54 =	vand.u32 $0xFFFFFFF8, v54;
	v38 =	vadd.s32 v15, v38;
	[tilespmem:v37+s11+$0x0] =	vst.idx.msk $0xffff, v48  }
0x182: {  	v37 =	vadd.s32 v25, v55;
	v41 =	vshll.u32 v41, $0x4;
	v48 =	vand.u32 $0xFFFFFFF8, v57;
	v35 =	vld.idx.msk [tilespmem:v35+s9+$0x0], $0xffff  }
0x183: {  	v55 =	vadd.s32 v34, v56;
	v41 =	vadd.s32 v15, v41;
	v52 =	vshll.u32 v52, $0x4;
	v49 =	vld.idx.msk [tilespmem:v49+s9+$0x0], $0xffff  }
0x184: {  	v44 =	vadd.s32 v25, v44;
	v42 =	vadd.s32 v34, v42;
	v52 =	vadd.s32 v15, v52;
	v36 =	vld.idx.msk [tilespmem:v36+s9+$0x0], $0xffff  }
0x185: {  	v47 =	vadd.s32 v25, v47;
	v50 =	vadd.s32 v34, v50;
	v40 =	vadd.s32 v25, v40;
	v39 =	vld.idx.msk [tilespmem:v39+s9+$0x0], $0xffff  }
0x186: {  	v45 =	vadd.s32 v34, v45;
	v53 =	vadd.s32 v34, v53;
	v43 =	vadd.s32 v25, v43;
	v38 =	vld.idx.msk [tilespmem:v38+s9+$0x0], $0xffff  }
0x187: {  	v46 =	vadd.s32 v25, v46;
	v51 =	vadd.s32 v25, v51;
	v54 =	vadd.s32 v34, v54  }
0x188: {  	v34 =	vadd.s32 v34, v48;
	[tilespmem:v37+s11+$0x0] =	vst.idx.msk $0xffff, v35;
	v35 =	vor.u32 v10, v55;
	v37 =	vld.idx.msk [tilespmem:v41+s9+$0x0], $0xffff  }
0x189: {  	v41 =	vor.u32 v10, v42;
	v42 =	vor.u32 v10, v50;
	[tilespmem:v44+s11+$0x0] =	vst.idx.msk $0xffff, v49;
	v48 =	vld.idx.msk [tilespmem:v52+s9+$0x0], $0xffff  }
0x18a: {  	v30 =	vshll.u32 v30, $0x4;
	[tilespmem:v47+s11+$0x0] =	vst.idx.msk $0xffff, v36;
	v36 =	vor.u32 v10, v45;
	v45 =	vor.u32 v10, v53  }
0x18b: {  	v44 =	vadd.s32 s25, v20;
	v49 =	vor.u32 v10, v34;
	[tilespmem:v40+s11+$0x0] =	vst.idx.msk $0xffff, v39;
	v40 =	vor.u32 v10, v54  }
0x18c: {  	v34 =	vadd.s32 v12, v31;
	v31 =	vadd.s32 v12, v32;
	v39 =	vadd.s32 s23, v20;
	[tilespmem:v43+s11+$0x0] =	vst.idx.msk $0xffff, v38  }
0x18d: {  	v32 =	vadd.s32 v12, v33;
	v33 =	vadd.s32 v12, v30;
	v38 =	vld.idx.msk [tilespmem:v35+s2+$0x0], $0xffff;
	v35 =	vadd.s32 s19, v20  }
0x18e: {  	v50 =	vadd.s32 s18, v20;
	v30 =	vmul.u32 $0x28, v44;
	v47 =	vadd.s32 s17, v20;
	v43 =	vld.idx.msk [tilespmem:v41+s2+$0x0], $0xffff;
	[tilespmem:v46+s11+$0x0] =	vst.idx.msk $0xffff, v37  }
.Ltmp0:
0x18f: {  	v37 =	vmul.u32 $0x28, v39;
	v39 =	vadd.s32 s16, v20;
	v46 =	vadd.s32 s20, v20;
	v44 =	vld.idx.msk [tilespmem:v42+s2+$0x0], $0xffff;
	[tilespmem:v51+s11+$0x0] =	vst.idx.msk $0xffff, v48;
	(pc) =	sbr.rel @p0 .LBB2_2-.Ltmp0, $4  }
0x190: {  	v47 =	vmul.u32 $0x28, v47;
	v35 =	vmul.u32 $0x28, v35;
	v48 =	vmul.u32 $0x28, v50;
	v41 =	vld.idx.msk [tilespmem:v36+s2+$0x0], $0xffff  }
0x191: {  	v46 =	vmul.u32 $0x28, v46;
	v36 =	vadd.s32 v23, v30;
	v30 =	vmul.u32 $0x28, v39;
	v42 =	vld.idx.msk [tilespmem:v45+s2+$0x0], $0xffff  }
0x192: {  	v37 =	vadd.s32 v23, v37;
	v35 =	vadd.s32 v23, v35;
	v39 =	vadd.s32 v23, v47;
	v45 =	vld.idx.msk [tilespmem:v40+s2+$0x0], $0xffff  }
0x193: {  	v47 =	vshll.u32 v38, $0x4;
	v40 =	vadd.s32 v23, v48;
	v38 =	vadd.s32 v23, v30;
	v30 =	vld.idx.msk [tilespmem:v49+s2+$0x0], $0xffff  }
0x194: {  	_ =	sdelay $0x2  }
0x195: {  	v0 =	vadd.s32 v12, v47;
	v1 =	vshll.u32 v43, $0x4  }
0x196: {  	v2 =	vshll.u32 v44, $0x4;
	v3 =	vld.idx.msk [tilespmem:v34+s9+$0x0], $0xffff;
	v1 =	vadd.s32 v12, v1  }
0x197: {  	v4 =	vld.idx.msk [tilespmem:v31+s9+$0x0], $0xffff;
	v2 =	vadd.s32 v12, v2;
	v5 =	vshll.u32 v41, $0x4  }
0x198: {  	v6 =	vld.idx.msk [tilespmem:v32+s9+$0x0], $0xffff;
	v7 =	vshll.u32 v42, $0x4;
	v5 =	vadd.s32 v12, v5  }
0x199: {  	v58 =	vld.idx.msk [tilespmem:v33+s9+$0x0], $0xffff;
	v8 =	vshll.u32 v45, $0x4;
	v7 =	vadd.s32 v12, v7  }
0x19a: {  	v9 =	vshll.u32 v30, $0x4;
	v8 =	vadd.s32 v12, v8;
	v0 =	vld.idx.msk [tilespmem:v0+s9+$0x0], $0xffff  }
0x19b: {  	[tilespmem:v29+s11+$0x0] =	vst.idx.msk $0xffff, v3;
	v57 =	vadd.s32 v12, v9;
	v1 =	vld.idx.msk [tilespmem:v1+s9+$0x0], $0xffff  }
0x19c: {  	[tilespmem:v27+s11+$0x0] =	vst.idx.msk $0xffff, v4;
	v2 =	vld.idx.msk [tilespmem:v2+s9+$0x0], $0xffff  }
0x19d: {  	[tilespmem:v28+s11+$0x0] =	vst.idx.msk $0xffff, v6;
	v59 =	vld.idx.msk [tilespmem:v5+s9+$0x0], $0xffff  }
0x19e: {  	[tilespmem:v26+s11+$0x0] =	vst.idx.msk $0xffff, v58;
	v60 =	vld.idx.msk [tilespmem:v7+s9+$0x0], $0xffff  }
0x19f: {  	v61 =	vld.idx.msk [tilespmem:v8+s9+$0x0], $0xffff;
	[tilespmem:v36+s11+$0x0] =	vst.idx.msk $0xffff, v0  }
0x1a0: {  	v62 =	vadd.s32 v23, v46;
	v63 =	vld.idx.msk [tilespmem:v57+s9+$0x0], $0xffff;
	[tilespmem:v37+s11+$0x0] =	vst.idx.msk $0xffff, v1  }
0x1a1: {  	[tilespmem:v35+s11+$0x0] =	vst.idx.msk $0xffff, v2  }
0x1a2: {  	[tilespmem:v39+s11+$0x0] =	vst.idx.msk $0xffff, v59  }
0x1a3: {  	s12 =	sadd.s32 $0x1, s12;
	[tilespmem:v40+s11+$0x0] =	vst.idx.msk $0xffff, v60  }
0x1a4: {  	p0 =	sne.s32 s12, s7;
	[tilespmem:v38+s11+$0x0] =	vst.idx.msk $0xffff, v61  }
.Ltmp1:
0x1a5: {  	[tilespmem:v62+s11+$0x0] =	vst.idx.msk $0xffff, v63;
	(pc) =	sbr.rel @p0 .LBB2_1-.Ltmp1, $4  }
0x1a6: {  	[hbm4b:s6+s2] =	stream.linear.scatter [tilespmem:s11], [sflag:$0x1], $0x5000, $0x38;
	[tilespmem:$0x5F90] =	vst v63  }
0x1a7: {  	_ =	swait.ge [sflag:s8], $0x5000  }
0x1a8: {  	[sflag:s8] =	ssyncset.done $0x0  }
0x1a9: {  	[sflag:s8] =	ssyncadd.s32 $0xFFFFB000  }
0x1aa: {  	_ =	sfence.sel $0x180000  }
0x1ab: {  	[bflag:$0x0] =	sbarrier.arrive $0xFFFF  }
0x1ac: {  	p0 =	sne.s32 s1, $0x0;
	_ =	strace $0x90000047  }
0x1ad: {  	s0 =	sadd.s32 @!p0 $0x100000, s0;
	[bflag:$0x2] =	sbarrier.arrive $0xFFFF  }
0x1ae: {  	[sflag:s0] =	ssyncadd.tile.s32 @!p0 $0x1;
	_ =	shalt  }
.Lfunc_end2:
_tile_overlayer_lowered:
.L_overlay_start_2:
0x1af: {  	(tag) =	ssettag $0x2  }
0x1b0: {  	s0 =	rddreg [dreg:$0x0];
	s2 =	stileid.u32  }
0x1b1: {  	s1 =	rddreg [dreg:$0x1];
	p0 =	sne.s32 s2, $0x0  }
0x1b2: {  	s3 =	rddreg [dreg:$0x2];
	[bflag:$0x3] =	sbarrier.arrive $0xFFFF;
	s2 =	simm.s32 @!p0 $0x1C01  }
0x1b3: {  	[timem:s3], [sflag:s2] =	dma.local @!p0 [hbm:s0], s1  }
0x1b4: {  	s0 =	simm.s32 @!p0 $0x1  }
0x1b5: {  	_ =	swait.ge @!p0 [sflag:s0], s1  }
0x1b6: {  	s1 =	ssub.s32 @!p0 $0x0, s1;
	[sflag:s0] =	ssyncset.done @!p0 $0x0  }
0x1b7: {  	[sflag:s0] =	ssyncadd.s32 @!p0 s1  }
0x1b8: {  	[bflag:$0x3] =	sbarrier.arrive $0xFFFF  }
0x1b9: {  	_ =	shalt  }

</sc_bundles>
